<compile_context>
chip_gen: v7x
topology: tpu7x:2x2x1
jax: 0.10.2.dev20260603
libtpu: 0.0.44.dev20260713+nightly
codegen_flags: <defaults>
</compile_context>

<pallas_src>
import jax
import jax.numpy as jnp
from jax import lax
from jax.experimental import pallas as pl
from jax.experimental.pallas import tpu as pltpu
from jax.experimental.pallas import tpu_sc as plsc

N = 100000
E = 3200000
D_IN = 128
H = 16

NC = 2
NS = 16
NW = NC * NS

B = 800
NSTEP = E // (NW * B)
PER_W = NSTEP * B

N16 = 100352
SLC = N16 // NS

M16 = N16 // 8
RBP = M16 // 4
GRIDP = M16 // RBP

RB = 2048
GRID = -(-N // RB)

_MESH = dict(core_axis_name="c", subcore_axis_name="s", num_cores=NC,
             num_subcores=NS)
_SC_PARAMS = pltpu.CompilerParams(use_tc_tiling_on_sc=False)


def _leaky(v):
    return jnp.where(v > 0, v, 0.01 * v)


def _mlp_body(x_ref, w1_ref, b1_ref, w2_ref, b2_ref, wc_ref, out_ref):
    h1 = _leaky(jnp.dot(x_ref[...], w1_ref[...],
                        preferred_element_type=jnp.float32) + b1_ref[...])
    h2 = _leaky(jnp.dot(h1, w2_ref[...],
                        preferred_element_type=jnp.float32) + b2_ref[...])
    out_ref[...] = jnp.dot(h2, wc_ref[...],
                           preferred_element_type=jnp.float32)


def _tc_mlp(x, W1, b1, W2, b2, Wc0):
    return pl.pallas_call(
        _mlp_body,
        grid=(GRID,),
        in_specs=[
            pl.BlockSpec((RB, D_IN), lambda i: (i, 0)),
            pl.BlockSpec((D_IN, 256), lambda i: (0, 0)),
            pl.BlockSpec((1, 256), lambda i: (0, 0)),
            pl.BlockSpec((256, H), lambda i: (0, 0)),
            pl.BlockSpec((1, H), lambda i: (0, 0)),
            pl.BlockSpec((H, H), lambda i: (0, 0)),
        ],
        out_specs=pl.BlockSpec((RB, H), lambda i: (i, 0)),
        out_shape=jax.ShapeDtypeStruct((N16, H), jnp.float32),
    )(x, W1, b1, W2, b2, Wc0)


def _prep_body(degp_ref, hw0_ref, dinv_ref, g0_ref):
    deg = degp_ref[0] + degp_ref[1] + 1.0
    dinv = lax.rsqrt(deg)
    dinv_ref[...] = dinv
    g0_ref[...] = hw0_ref[...] * dinv


def _tc_prep(degp, hw0):
    return pl.pallas_call(
        _prep_body,
        grid=(GRIDP,),
        in_specs=[
            pl.BlockSpec((NC, RBP, 128), lambda i: (0, i, 0)),
            pl.BlockSpec((RBP, 128), lambda i: (i, 0)),
        ],
        out_specs=[
            pl.BlockSpec((RBP, 128), lambda i: (i, 0)),
            pl.BlockSpec((RBP, 128), lambda i: (i, 0)),
        ],
        out_shape=[
            jax.ShapeDtypeStruct((M16, 128), jnp.float32),
            jax.ShapeDtypeStruct((M16, 128), jnp.float32),
        ],
    )(degp, hw0)


def _epi_body(acc_ref, g_ref, dinv_ref, b_ref, wc_ref, gn_ref):
    s = acc_ref[0] + acc_ref[1] + g_ref[...]
    h = _leaky(dinv_ref[...] * s + b_ref[...])
    parts = [jnp.dot(h[:, j * H:(j + 1) * H], wc_ref[...],
                     preferred_element_type=jnp.float32) for j in range(8)]
    gn_ref[...] = jnp.concatenate(parts, axis=1) * dinv_ref[...]


def _tc_epi(acc, g, dinv, b8, Wc_next):
    return pl.pallas_call(
        _epi_body,
        grid=(GRIDP,),
        in_specs=[
            pl.BlockSpec((NC, RBP, 128), lambda i: (0, i, 0)),
            pl.BlockSpec((RBP, 128), lambda i: (i, 0)),
            pl.BlockSpec((RBP, 128), lambda i: (i, 0)),
            pl.BlockSpec((1, 128), lambda i: (0, 0)),
            pl.BlockSpec((H, H), lambda i: (0, 0)),
        ],
        out_specs=pl.BlockSpec((RBP, 128), lambda i: (i, 0)),
        out_shape=jax.ShapeDtypeStruct((M16, 128), jnp.float32),
    )(acc, g, dinv, b8, Wc_next)


def _final_body(acc_ref, g_ref, dinv_ref, b_ref, wp_ref, bp_ref,
                out_ref, h_ref):
    s = acc_ref[0] + acc_ref[1] + g_ref[...]
    h = _leaky(dinv_ref[...] * s + b_ref[...])
    h_ref[...] = h
    parts = [jnp.sum(jnp.dot(h[:, j * H:(j + 1) * H], wp_ref[...],
                             preferred_element_type=jnp.float32)
                     + bp_ref[...], axis=-1, keepdims=True)
             for j in range(8)]
    out_ref[...] = jnp.concatenate(parts, axis=1)


def _tc_final(acc, g, dinv, b8, Wp, bpr):
    return pl.pallas_call(
        _final_body,
        grid=(GRIDP,),
        in_specs=[
            pl.BlockSpec((NC, RBP, 128), lambda i: (0, i, 0)),
            pl.BlockSpec((RBP, 128), lambda i: (i, 0)),
            pl.BlockSpec((RBP, 128), lambda i: (i, 0)),
            pl.BlockSpec((1, 128), lambda i: (0, 0)),
            pl.BlockSpec((H, 2), lambda i: (0, 0)),
            pl.BlockSpec((1, 2), lambda i: (0, 0)),
        ],
        out_specs=[
            pl.BlockSpec((RBP, 8), lambda i: (i, 0)),
            pl.BlockSpec((RBP, 128), lambda i: (i, 0)),
        ],
        out_shape=[
            jax.ShapeDtypeStruct((M16, 8), jnp.float32),
            jax.ShapeDtypeStruct((M16, 128), jnp.float32),
        ],
    )(acc, g, dinv, b8, Wp, bpr)


def _deg_body(ei_hbm, zeros_hbm, ones_hbm, out_hbm,
              idx0, idx1, ones_v, acc_sh, semi0, semi1):
    c = lax.axis_index("c")
    s = lax.axis_index("s")
    pltpu.sync_copy(zeros_hbm.at[pl.ds(s * SLC, SLC)],
                    acc_sh.at[pl.ds(s * SLC, SLC)])
    pltpu.sync_copy(ones_hbm, ones_v)
    plsc.subcore_barrier()
    base = (c * NS + s) * PER_W
    bufs = ((idx0, semi0), (idx1, semi1))

    def start_idx(i, buf):
        idx, semi = buf
        pltpu.async_copy(ei_hbm.at[1, pl.ds(base + i * B, B)], idx, semi)

    def wait_idx(i, buf):
        idx, semi = buf
        pltpu.make_async_copy(ei_hbm.at[1, pl.ds(base + i * B, B)],
                              idx, semi).wait()

    def chunk(i, b):
        wait_idx(i, bufs[b])
        pltpu.sync_copy(ones_v, acc_sh.at[bufs[b][0]], add=True)

        @pl.when(i + 2 < NSTEP)
        def _():
            start_idx(i + 2, bufs[b])

    start_idx(0, bufs[0])
    if NSTEP > 1:
        start_idx(1, bufs[1])

    def group(gi, carry):
        for b in range(2):
            chunk(gi * 2 + b, b)
        return carry

    lax.fori_loop(0, NSTEP // 2, group, 0)
    if NSTEP % 2:
        chunk(NSTEP - 1, (NSTEP - 1) % 2)
    plsc.subcore_barrier()
    pltpu.sync_copy(acc_sh.at[pl.ds(s * SLC, SLC)],
                    out_hbm.at[c, pl.ds(s * SLC, SLC)])


_sc_degree = pl.kernel(
    _deg_body,
    out_type=jax.ShapeDtypeStruct((NC, N16, H), jnp.float32),
    mesh=plsc.VectorSubcoreMesh(**_MESH),
    compiler_params=_SC_PARAMS,
    scratch_types=[
        pltpu.VMEM((B,), jnp.int32),
        pltpu.VMEM((B,), jnp.int32),
        pltpu.VMEM((B, H), jnp.float32),
        pltpu.VMEM_SHARED((N16, H), jnp.float32),
        pltpu.SemaphoreType.DMA,
        pltpu.SemaphoreType.DMA,
    ],
)


def _conv_body(ei_hbm, g_hbm, zeros_hbm, out_hbm,
               isrc0, idst0, rows0, isrc1, idst1, rows1, acc_sh,
               semg0, semg1, semi0, semi1):
    c = lax.axis_index("c")
    s = lax.axis_index("s")
    pltpu.sync_copy(zeros_hbm.at[pl.ds(s * SLC, SLC)],
                    acc_sh.at[pl.ds(s * SLC, SLC)])
    plsc.subcore_barrier()
    base = (c * NS + s) * PER_W
    bufs = ((isrc0, idst0, rows0, semg0, semi0),
            (isrc1, idst1, rows1, semg1, semi1))

    def start_idx(i, buf):
        isrc, idst, rows, semg, semi = buf
        off = base + i * B
        pltpu.async_copy(ei_hbm.at[0, pl.ds(off, B)], isrc, semi)
        pltpu.async_copy(ei_hbm.at[1, pl.ds(off, B)], idst, semi)

    def wait_idx(i, buf):
        isrc, idst, rows, semg, semi = buf
        off = base + i * B
        pltpu.make_async_copy(ei_hbm.at[0, pl.ds(off, B)], isrc, semi).wait()
        pltpu.make_async_copy(ei_hbm.at[1, pl.ds(off, B)], idst, semi).wait()

    def chunk(i, b):
        nxt = i + 1

        @pl.when(nxt < NSTEP)
        def _():
            wait_idx(nxt, bufs[1 - b])
            pltpu.async_copy(g_hbm.at[bufs[1 - b][0]], bufs[1 - b][2],
                             bufs[1 - b][3])

        isrc, idst, rows, semg, semi = bufs[b]
        pltpu.make_async_copy(g_hbm.at[isrc], rows, semg).wait()
        pltpu.sync_copy(rows, acc_sh.at[idst], add=True)

        @pl.when(i + 2 < NSTEP)
        def _():
            start_idx(i + 2, bufs[b])

    start_idx(0, bufs[0])
    wait_idx(0, bufs[0])
    pltpu.async_copy(g_hbm.at[bufs[0][0]], bufs[0][2], bufs[0][3])
    if NSTEP > 1:
        start_idx(1, bufs[1])

    def group(gi, carry):
        for b in range(2):
            chunk(gi * 2 + b, b)
        return carry

    lax.fori_loop(0, NSTEP // 2, group, 0)
    if NSTEP % 2:
        chunk(NSTEP - 1, (NSTEP - 1) % 2)
    plsc.subcore_barrier()
    pltpu.sync_copy(acc_sh.at[pl.ds(s * SLC, SLC)],
                    out_hbm.at[c, pl.ds(s * SLC, SLC)])


_sc_conv = pl.kernel(
    _conv_body,
    out_type=jax.ShapeDtypeStruct((NC, N16, H), jnp.float32),
    mesh=plsc.VectorSubcoreMesh(**_MESH),
    compiler_params=_SC_PARAMS,
    scratch_types=[
        pltpu.VMEM((B,), jnp.int32),
        pltpu.VMEM((B,), jnp.int32),
        pltpu.VMEM((B, H), jnp.float32),
        pltpu.VMEM((B,), jnp.int32),
        pltpu.VMEM((B,), jnp.int32),
        pltpu.VMEM((B, H), jnp.float32),
        pltpu.VMEM_SHARED((N16, H), jnp.float32),
        pltpu.SemaphoreType.DMA,
        pltpu.SemaphoreType.DMA,
        pltpu.SemaphoreType.DMA,
        pltpu.SemaphoreType.DMA,
    ],
)


def kernel(x, edge_index, W1, b1, W2, b2, Wc0, bc0, Wc1, bc1, Wp, bp):
    zeros16 = jnp.zeros((N16, H), jnp.float32)
    ones_b = jnp.ones((B, H), jnp.float32)

    b1r = b1.reshape(1, 256)
    b2r = b2.reshape(1, H)
    bc0r = bc0.reshape(1, H)
    bc1r = bc1.reshape(1, H)
    bpr = bp.reshape(1, 2)

    bc0t = jnp.tile(bc0, 8).reshape(1, 128)
    bc1t = jnp.tile(bc1, 8).reshape(1, 128)

    degp = _sc_degree(edge_index, zeros16, ones_b)
    hw0 = _tc_mlp(x, W1, b1r, W2, b2r, Wc0)
    dinv, g0 = _tc_prep(degp.reshape(NC, M16, 128), hw0.reshape(M16, 128))
    acc0 = _sc_conv(edge_index, g0.reshape(N16, H), zeros16)
    g1 = _tc_epi(acc0.reshape(NC, M16, 128), g0, dinv, bc0t, Wc1)
    acc1 = _sc_conv(edge_index, g1.reshape(N16, H), zeros16)
    out2, hp = _tc_final(acc1.reshape(NC, M16, 128), g1, dinv, bc1t,
                         Wp, bpr)
    return (out2.reshape(N16)[:N], hp.reshape(N16, H)[:N])

# --- scband reference (transcript-rebuilt; emitter-appended) ---
"""Pipeline reference for scband-node-gnn-38654705664132 (READ-ONLY COPY).

The authoritative reference and input builder live on the scoring server;
editing this copy changes nothing except your own understanding.
"""

import jax, jax.numpy as jnp
import numpy as np

N = 100000
E = 3200000
D_IN = 128
H = 16
OUT = 2


def _leaky(x):
    return jax.nn.leaky_relu(x, negative_slope=0.01)


def _gcn_conv(h, W, b, src, dst, n):
    # GCNConv: add self-loops, symmetric normalization, then aggregate
    loop = jnp.arange(n, dtype=src.dtype)
    s = jnp.concatenate([src, loop])
    d = jnp.concatenate([dst, loop])
    deg = jax.ops.segment_sum(jnp.ones(s.shape[0], jnp.float32), d, num_segments=n)
    dinv = jnp.where(deg > 0, 1.0 / jnp.sqrt(deg), 0.0)
    norm = dinv[s] * dinv[d]
    hw = h @ W
    msg = hw[s] * norm[:, None]
    out = jax.ops.segment_sum(msg, d, num_segments=n)
    return out + b


def setup_inputs(seed: int = 0) -> dict:
    key = jax.random.key(seed)
    ks = jax.random.split(key, 12)
    x = jax.random.normal(ks[0], (N, D_IN), dtype=jnp.float32)
    edge_index = jax.random.randint(ks[1], (2, E), 0, N, dtype=jnp.int32)
    W1 = jax.random.normal(ks[2], (D_IN, 256), dtype=jnp.float32) * (1.0 / np.sqrt(D_IN))
    b1 = jnp.zeros((256,), jnp.float32)
    W2 = jax.random.normal(ks[3], (256, H), dtype=jnp.float32) * (1.0 / np.sqrt(256))
    b2 = jnp.zeros((H,), jnp.float32)
    Wc0 = jax.random.normal(ks[4], (H, H), dtype=jnp.float32) * (1.0 / np.sqrt(H))
    bc0 = jnp.zeros((H,), jnp.float32)
    Wc1 = jax.random.normal(ks[5], (H, H), dtype=jnp.float32) * (1.0 / np.sqrt(H))
    bc1 = jnp.zeros((H,), jnp.float32)
    Wp = jax.random.normal(ks[6], (H, OUT), dtype=jnp.float32) * (1.0 / np.sqrt(H))
    bp = jnp.zeros((OUT,), jnp.float32)
    return {"x": x, "edge_index": edge_index, "W1": W1, "b1": b1, "W2": W2, "b2": b2,
            "Wc0": Wc0, "bc0": bc0, "Wc1": Wc1, "bc1": bc1, "Wp": Wp, "bp": bp}


def reference(x, edge_index, W1, b1, W2, b2, Wc0, bc0, Wc1, bc1, Wp, bp):
    src = edge_index[0]
    dst = edge_index[1]
    h = _leaky(x @ W1 + b1)
    h = _leaky(h @ W2 + b2)
    h = _leaky(_gcn_conv(h, Wc0, bc0, src, dst, N))
    h = _leaky(_gcn_conv(h, Wc1, bc1, src, dst, N))
    out = h @ Wp + bp
    out = jnp.sum(out, axis=-1)
    return (out, h)

if __name__ == "__main__":
    import jax
    _d = setup_inputs()
    print(jax.jit(kernel)(*tuple(_d.values())))

</pallas_src>

<mosaic_0001>
#map = affine_map<(d0, d1) -> (0, 0)>
#map1 = affine_map<(d0, d1) -> (0, 0, 0)>
module attributes {stable_mosaic.version = 14 : i64} {
  func.func @_conv_body(%arg0: i32, %arg1: i32, %arg2: memref<2x3200000xi32, #tpu.memory_space<hbm>>, %arg3: memref<100352x16xf32, #tpu.memory_space<hbm>>, %arg4: memref<100352x16xf32, #tpu.memory_space<hbm>>, %arg5: memref<2x100352x16xf32, #tpu.memory_space<hbm>>, %arg6: memref<800xi32, #tpu.memory_space<vmem>>, %arg7: memref<800xi32, #tpu.memory_space<vmem>>, %arg8: memref<800x16xf32, #tpu.memory_space<vmem>>, %arg9: memref<800xi32, #tpu.memory_space<vmem>>, %arg10: memref<800xi32, #tpu.memory_space<vmem>>, %arg11: memref<800x16xf32, #tpu.memory_space<vmem>>, %arg12: memref<100352x16xf32, #tpu.memory_space<vmem_shared>>, %arg13: memref<!tpu.dma_semaphore, #tpu.memory_space<semaphore_mem>>, %arg14: memref<!tpu.dma_semaphore, #tpu.memory_space<semaphore_mem>>, %arg15: memref<!tpu.dma_semaphore, #tpu.memory_space<semaphore_mem>>, %arg16: memref<!tpu.dma_semaphore, #tpu.memory_space<semaphore_mem>>) attributes {dimension_semantics = [#tpu.dimension_semantics<core_parallel>, #tpu.dimension_semantics<subcore_parallel>], iteration_bounds = array<i64: 2, 16>, scalar_prefetch = 0 : i64, scratch_operands = 11 : i64, tpu.core_type = #tpu.core_type<sc_vector_subcore>, window_params = [{transform_indices = #map}, {transform_indices = #map}, {transform_indices = #map}, {transform_indices = #map1}]} {
    %mul3A = arith.constant 6272 : i32
    %mul3A_0 = arith.muli %arg1, %mul3A : i32
    %mul3A_1 = arith.constant 6272 : i32
    %mul3A_2 = arith.muli %arg1, %mul3A_1 : i32
    "tpu.region"() ({
      %run_scoped3A = tpu.sem_alloc : memref<!tpu.dma_semaphore, #tpu.memory_space<semaphore_mem>>
      %dma_start3A_57 = arith.constant 0 : i32
      %dma_start3A_58 = tpu.memref_slice %arg12[%mul3A_2, %dma_start3A_57] : memref<100352x16xf32, #tpu.memory_space<vmem_shared>> -> memref<6272x16xf32, #tpu.memory_space<vmem_shared>>
      %dma_start3A_59 = arith.constant 0 : i32
      %dma_start3A_60 = tpu.memref_slice %arg4[%mul3A_0, %dma_start3A_59] : memref<100352x16xf32, #tpu.memory_space<hbm>> -> memref<6272x16xf32, #tpu.memory_space<hbm>>
      tpu.enqueue_dma source(%dma_start3A_60 : memref<6272x16xf32, #tpu.memory_space<hbm>>) target(%dma_start3A_58 : memref<6272x16xf32, #tpu.memory_space<vmem_shared>>) target_semaphore(%run_scoped3A : memref<!tpu.dma_semaphore, #tpu.memory_space<semaphore_mem>>)
      %dma_wait3A_61 = arith.constant 0 : i32
      %dma_wait3A_62 = tpu.memref_slice %arg12[%mul3A_2, %dma_wait3A_61] : memref<100352x16xf32, #tpu.memory_space<vmem_shared>> -> memref<6272x16xf32, #tpu.memory_space<vmem_shared>>
      %dma_wait3A_63 = arith.constant 0 : i32
      %dma_wait3A_64 = tpu.memref_slice %arg4[%mul3A_0, %dma_wait3A_63] : memref<100352x16xf32, #tpu.memory_space<hbm>> -> memref<6272x16xf32, #tpu.memory_space<hbm>>
      tpu.wait_dma2 semaphore(%run_scoped3A : memref<!tpu.dma_semaphore, #tpu.memory_space<semaphore_mem>>) src(%dma_wait3A_64 : memref<6272x16xf32, #tpu.memory_space<hbm>>) dst(%dma_wait3A_62 : memref<6272x16xf32, #tpu.memory_space<vmem_shared>>)
      tpu.yield
    }) : () -> ()
    %barrier3A = arith.constant 0 : index
    tpu.barrier barrier_id(%barrier3A)
    %mul3A_3 = arith.constant 16 : i32
    %mul3A_4 = arith.muli %arg0, %mul3A_3 : i32
    %add3A = arith.addi %mul3A_4, %arg1 : i32
    %mul3A_5 = arith.constant 100000 : i32
    %mul3A_6 = arith.muli %add3A, %mul3A_5 : i32
    %add3A_7 = arith.constant 0 : i32
    %add3A_8 = arith.addi %mul3A_6, %add3A_7 : i32
    %dma_start3A = arith.constant 0 : i32
    %dma_start3A_9 = tpu.memref_slice %arg2[%dma_start3A, %add3A_8] : memref<2x3200000xi32, #tpu.memory_space<hbm>> -> memref<1x800xi32, #tpu.memory_space<hbm>>
    %dma_start3A_10 = tpu.memref_squeeze %dma_start3A_9 : memref<1x800xi32, #tpu.memory_space<hbm>> -> memref<800xi32, #tpu.memory_space<hbm>>
    %dma_start3A_11 = tpu.memref_slice %arg2[%dma_start3A, %add3A_8] : memref<2x3200000xi32, #tpu.memory_space<hbm>> -> memref<1x800xi32, #tpu.memory_space<hbm>>
    %dma_start3A_12 = tpu.memref_squeeze %dma_start3A_11 : memref<1x800xi32, #tpu.memory_space<hbm>> -> memref<800xi32, #tpu.memory_space<hbm>>
    tpu.enqueue_dma source(%dma_start3A_12 : memref<800xi32, #tpu.memory_space<hbm>>) target(%arg6 : memref<800xi32, #tpu.memory_space<vmem>>) target_semaphore(%arg15 : memref<!tpu.dma_semaphore, #tpu.memory_space<semaphore_mem>>)
    %dma_start3A_13 = arith.constant 1 : i32
    %dma_start3A_14 = tpu.memref_slice %arg2[%dma_start3A_13, %add3A_8] : memref<2x3200000xi32, #tpu.memory_space<hbm>> -> memref<1x800xi32, #tpu.memory_space<hbm>>
    %dma_start3A_15 = tpu.memref_squeeze %dma_start3A_14 : memref<1x800xi32, #tpu.memory_space<hbm>> -> memref<800xi32, #tpu.memory_space<hbm>>
    %dma_start3A_16 = tpu.memref_slice %arg2[%dma_start3A_13, %add3A_8] : memref<2x3200000xi32, #tpu.memory_space<hbm>> -> memref<1x800xi32, #tpu.memory_space<hbm>>
    %dma_start3A_17 = tpu.memref_squeeze %dma_start3A_16 : memref<1x800xi32, #tpu.memory_space<hbm>> -> memref<800xi32, #tpu.memory_space<hbm>>
    tpu.enqueue_dma source(%dma_start3A_17 : memref<800xi32, #tpu.memory_space<hbm>>) target(%arg7 : memref<800xi32, #tpu.memory_space<vmem>>) target_semaphore(%arg15 : memref<!tpu.dma_semaphore, #tpu.memory_space<semaphore_mem>>)
    %add3A_18 = arith.constant 0 : i32
    %add3A_19 = arith.addi %mul3A_6, %add3A_18 : i32
    %dma_wait3A = arith.constant 0 : i32
    %dma_wait3A_20 = tpu.memref_slice %arg2[%dma_wait3A, %add3A_19] : memref<2x3200000xi32, #tpu.memory_space<hbm>> -> memref<1x800xi32, #tpu.memory_space<hbm>>
    %dma_wait3A_21 = tpu.memref_squeeze %dma_wait3A_20 : memref<1x800xi32, #tpu.memory_space<hbm>> -> memref<800xi32, #tpu.memory_space<hbm>>
    %dma_wait3A_22 = tpu.memref_slice %arg2[%dma_wait3A, %add3A_19] : memref<2x3200000xi32, #tpu.memory_space<hbm>> -> memref<1x800xi32, #tpu.memory_space<hbm>>
    %dma_wait3A_23 = tpu.memref_squeeze %dma_wait3A_22 : memref<1x800xi32, #tpu.memory_space<hbm>> -> memref<800xi32, #tpu.memory_space<hbm>>
    tpu.wait_dma2 semaphore(%arg15 : memref<!tpu.dma_semaphore, #tpu.memory_space<semaphore_mem>>) src(%dma_wait3A_23 : memref<800xi32, #tpu.memory_space<hbm>>) dst(%arg6 : memref<800xi32, #tpu.memory_space<vmem>>)
    %dma_wait3A_24 = arith.constant 1 : i32
    %dma_wait3A_25 = tpu.memref_slice %arg2[%dma_wait3A_24, %add3A_19] : memref<2x3200000xi32, #tpu.memory_space<hbm>> -> memref<1x800xi32, #tpu.memory_space<hbm>>
    %dma_wait3A_26 = tpu.memref_squeeze %dma_wait3A_25 : memref<1x800xi32, #tpu.memory_space<hbm>> -> memref<800xi32, #tpu.memory_space<hbm>>
    %dma_wait3A_27 = tpu.memref_slice %arg2[%dma_wait3A_24, %add3A_19] : memref<2x3200000xi32, #tpu.memory_space<hbm>> -> memref<1x800xi32, #tpu.memory_space<hbm>>
    %dma_wait3A_28 = tpu.memref_squeeze %dma_wait3A_27 : memref<1x800xi32, #tpu.memory_space<hbm>> -> memref<800xi32, #tpu.memory_space<hbm>>
    tpu.wait_dma2 semaphore(%arg15 : memref<!tpu.dma_semaphore, #tpu.memory_space<semaphore_mem>>) src(%dma_wait3A_28 : memref<800xi32, #tpu.memory_space<hbm>>) dst(%arg7 : memref<800xi32, #tpu.memory_space<vmem>>)
    %dma_start3A_29 = arith.constant 0 : i32
    %dma_start3A_30 = arith.constant 0 : i32
    %dma_start3A_31 = tpu.memref_slice %arg3[%dma_start3A_29, %dma_start3A_30] : memref<100352x16xf32, #tpu.memory_space<hbm>> -> memref<100352x16xf32, #tpu.memory_space<hbm>>
    tpu.enqueue_indirect_dma source(%dma_start3A_31 : memref<100352x16xf32, #tpu.memory_space<hbm>>) target(%arg8 : memref<800x16xf32, #tpu.memory_space<vmem>>) offsets(%arg6 : memref<800xi32, #tpu.memory_space<vmem>>) semaphore(%arg13 : memref<!tpu.dma_semaphore, #tpu.memory_space<semaphore_mem>>)
    %add3A_32 = arith.constant 800 : i32
    %add3A_33 = arith.addi %mul3A_6, %add3A_32 : i32
    %dma_start3A_34 = arith.constant 0 : i32
    %dma_start3A_35 = tpu.memref_slice %arg2[%dma_start3A_34, %add3A_33] : memref<2x3200000xi32, #tpu.memory_space<hbm>> -> memref<1x800xi32, #tpu.memory_space<hbm>>
    %dma_start3A_36 = tpu.memref_squeeze %dma_start3A_35 : memref<1x800xi32, #tpu.memory_space<hbm>> -> memref<800xi32, #tpu.memory_space<hbm>>
    %dma_start3A_37 = tpu.memref_slice %arg2[%dma_start3A_34, %add3A_33] : memref<2x3200000xi32, #tpu.memory_space<hbm>> -> memref<1x800xi32, #tpu.memory_space<hbm>>
    %dma_start3A_38 = tpu.memref_squeeze %dma_start3A_37 : memref<1x800xi32, #tpu.memory_space<hbm>> -> memref<800xi32, #tpu.memory_space<hbm>>
    tpu.enqueue_dma source(%dma_start3A_38 : memref<800xi32, #tpu.memory_space<hbm>>) target(%arg9 : memref<800xi32, #tpu.memory_space<vmem>>) target_semaphore(%arg16 : memref<!tpu.dma_semaphore, #tpu.memory_space<semaphore_mem>>)
    %dma_start3A_39 = arith.constant 1 : i32
    %dma_start3A_40 = tpu.memref_slice %arg2[%dma_start3A_39, %add3A_33] : memref<2x3200000xi32, #tpu.memory_space<hbm>> -> memref<1x800xi32, #tpu.memory_space<hbm>>
    %dma_start3A_41 = tpu.memref_squeeze %dma_start3A_40 : memref<1x800xi32, #tpu.memory_space<hbm>> -> memref<800xi32, #tpu.memory_space<hbm>>
    %dma_start3A_42 = tpu.memref_slice %arg2[%dma_start3A_39, %add3A_33] : memref<2x3200000xi32, #tpu.memory_space<hbm>> -> memref<1x800xi32, #tpu.memory_space<hbm>>
    %dma_start3A_43 = tpu.memref_squeeze %dma_start3A_42 : memref<1x800xi32, #tpu.memory_space<hbm>> -> memref<800xi32, #tpu.memory_space<hbm>>
    tpu.enqueue_dma source(%dma_start3A_43 : memref<800xi32, #tpu.memory_space<hbm>>) target(%arg10 : memref<800xi32, #tpu.memory_space<vmem>>) target_semaphore(%arg16 : memref<!tpu.dma_semaphore, #tpu.memory_space<semaphore_mem>>)
    %scan3A = arith.constant 0 : i32
    %scan3A_44 = arith.constant 0 : i32
    %scan3A_45 = arith.constant 62 : i32
    %scan3A_46 = arith.addi %scan3A_44, %scan3A_45 : i32
    %scan3A_47 = arith.constant 1 : i32
    scf.for %scan3A_57 = %scan3A_44 to %scan3A_46 step %scan3A_47  : i32 {
      %mul3A_58 = arith.constant 2 : i32
      %mul3A_59 = arith.muli %scan3A_57, %mul3A_58 : i32
      %add3A_60 = arith.constant 0 : i32
      %add3A_61 = arith.addi %mul3A_59, %add3A_60 : i32
      %add3A_62 = arith.constant 1 : i32
      %add3A_63 = arith.addi %add3A_61, %add3A_62 : i32
      %lt3A = arith.constant 125 : i32
      %lt3A_64 = arith.cmpi slt, %add3A_63, %lt3A : i32
      %convert_element_type3A = arith.extui %lt3A_64 : i1 to i32
      %cond3A = arith.constant 0 : i32
      %cond3A_65 = arith.cmpi ne, %convert_element_type3A, %cond3A : i32
      scf.if %cond3A_65 {
        %mul3A_97 = arith.constant 800 : i32
        %mul3A_98 = arith.muli %add3A_63, %mul3A_97 : i32
        %add3A_99 = arith.addi %mul3A_6, %mul3A_98 : i32
        %dma_wait3A_100 = arith.constant 0 : i32
        %dma_wait3A_101 = tpu.memref_slice %arg2[%dma_wait3A_100, %add3A_99] : memref<2x3200000xi32, #tpu.memory_space<hbm>> -> memref<1x800xi32, #tpu.memory_space<hbm>>
        %dma_wait3A_102 = tpu.memref_squeeze %dma_wait3A_101 : memref<1x800xi32, #tpu.memory_space<hbm>> -> memref<800xi32, #tpu.memory_space<hbm>>
        %dma_wait3A_103 = tpu.memref_slice %arg2[%dma_wait3A_100, %add3A_99] : memref<2x3200000xi32, #tpu.memory_space<hbm>> -> memref<1x800xi32, #tpu.memory_space<hbm>>
        %dma_wait3A_104 = tpu.memref_squeeze %dma_wait3A_103 : memref<1x800xi32, #tpu.memory_space<hbm>> -> memref<800xi32, #tpu.memory_space<hbm>>
        tpu.wait_dma2 semaphore(%arg16 : memref<!tpu.dma_semaphore, #tpu.memory_space<semaphore_mem>>) src(%dma_wait3A_104 : memref<800xi32, #tpu.memory_space<hbm>>) dst(%arg9 : memref<800xi32, #tpu.memory_space<vmem>>)
        %dma_wait3A_105 = arith.constant 1 : i32
        %dma_wait3A_106 = tpu.memref_slice %arg2[%dma_wait3A_105, %add3A_99] : memref<2x3200000xi32, #tpu.memory_space<hbm>> -> memref<1x800xi32, #tpu.memory_space<hbm>>
        %dma_wait3A_107 = tpu.memref_squeeze %dma_wait3A_106 : memref<1x800xi32, #tpu.memory_space<hbm>> -> memref<800xi32, #tpu.memory_space<hbm>>
        %dma_wait3A_108 = tpu.memref_slice %arg2[%dma_wait3A_105, %add3A_99] : memref<2x3200000xi32, #tpu.memory_space<hbm>> -> memref<1x800xi32, #tpu.memory_space<hbm>>
        %dma_wait3A_109 = tpu.memref_squeeze %dma_wait3A_108 : memref<1x800xi32, #tpu.memory_space<hbm>> -> memref<800xi32, #tpu.memory_space<hbm>>
        tpu.wait_dma2 semaphore(%arg16 : memref<!tpu.dma_semaphore, #tpu.memory_space<semaphore_mem>>) src(%dma_wait3A_109 : memref<800xi32, #tpu.memory_space<hbm>>) dst(%arg10 : memref<800xi32, #tpu.memory_space<vmem>>)
        %dma_start3A_110 = arith.constant 0 : i32
        %dma_start3A_111 = arith.constant 0 : i32
        %dma_start3A_112 = tpu.memref_slice %arg3[%dma_start3A_110, %dma_start3A_111] : memref<100352x16xf32, #tpu.memory_space<hbm>> -> memref<100352x16xf32, #tpu.memory_space<hbm>>
        tpu.enqueue_indirect_dma source(%dma_start3A_112 : memref<100352x16xf32, #tpu.memory_space<hbm>>) target(%arg11 : memref<800x16xf32, #tpu.memory_space<vmem>>) offsets(%arg9 : memref<800xi32, #tpu.memory_space<vmem>>) semaphore(%arg14 : memref<!tpu.dma_semaphore, #tpu.memory_space<semaphore_mem>>)
      } else {
      }
      %dma_wait3A_66 = arith.constant 0 : i32
      %dma_wait3A_67 = arith.constant 0 : i32
      %dma_wait3A_68 = tpu.memref_slice %arg3[%dma_wait3A_66, %dma_wait3A_67] : memref<100352x16xf32, #tpu.memory_space<hbm>> -> memref<100352x16xf32, #tpu.memory_space<hbm>>
      tpu.wait_indirect_dma semaphore(%arg13 : memref<!tpu.dma_semaphore, #tpu.memory_space<semaphore_mem>>) src(%dma_wait3A_68 : memref<100352x16xf32, #tpu.memory_space<hbm>>) dst(%arg8 : memref<800x16xf32, #tpu.memory_space<vmem>>)
      "tpu.region"() ({
        %run_scoped3A = tpu.sem_alloc : memref<!tpu.dma_semaphore, #tpu.memory_space<semaphore_mem>>
        %dma_start3A_97 = arith.constant 0 : i32
        %dma_start3A_98 = arith.constant 0 : i32
        %dma_start3A_99 = tpu.memref_slice %arg12[%dma_start3A_97, %dma_start3A_98] : memref<100352x16xf32, #tpu.memory_space<vmem_shared>> -> memref<100352x16xf32, #tpu.memory_space<vmem_shared>>
        tpu.enqueue_indirect_dma source(%arg8 : memref<800x16xf32, #tpu.memory_space<vmem>>) target(%dma_start3A_99 : memref<100352x16xf32, #tpu.memory_space<vmem_shared>>) offsets(%arg7 : memref<800xi32, #tpu.memory_space<vmem>>) semaphore(%run_scoped3A : memref<!tpu.dma_semaphore, #tpu.memory_space<semaphore_mem>>) {add = true}
        %dma_wait3A_100 = arith.constant 0 : i32
        %dma_wait3A_101 = arith.constant 0 : i32
        %dma_wait3A_102 = tpu.memref_slice %arg12[%dma_wait3A_100, %dma_wait3A_101] : memref<100352x16xf32, #tpu.memory_space<vmem_shared>> -> memref<100352x16xf32, #tpu.memory_space<vmem_shared>>
        tpu.wait_indirect_dma semaphore(%run_scoped3A : memref<!tpu.dma_semaphore, #tpu.memory_space<semaphore_mem>>) src(%arg8 : memref<800x16xf32, #tpu.memory_space<vmem>>) dst(%dma_wait3A_102 : memref<100352x16xf32, #tpu.memory_space<vmem_shared>>)
        tpu.yield
      }) : () -> ()
      %add3A_69 = arith.constant 2 : i32
      %add3A_70 = arith.addi %add3A_61, %add3A_69 : i32
      %lt3A_71 = arith.constant 125 : i32
      %lt3A_72 = arith.cmpi slt, %add3A_70, %lt3A_71 : i32
      %convert_element_type3A_73 = arith.extui %lt3A_72 : i1 to i32
      %cond3A_74 = arith.constant 0 : i32
      %cond3A_75 = arith.cmpi ne, %convert_element_type3A_73, %cond3A_74 : i32
      scf.if %cond3A_75 {
        %add3A_97 = arith.constant 2 : i32
        %add3A_98 = arith.addi %add3A_61, %add3A_97 : i32
        %mul3A_99 = arith.constant 800 : i32
        %mul3A_100 = arith.muli %add3A_98, %mul3A_99 : i32
        %add3A_101 = arith.addi %mul3A_6, %mul3A_100 : i32
        %dma_start3A_102 = arith.constant 0 : i32
        %dma_start3A_103 = tpu.memref_slice %arg2[%dma_start3A_102, %add3A_101] : memref<2x3200000xi32, #tpu.memory_space<hbm>> -> memref<1x800xi32, #tpu.memory_space<hbm>>
        %dma_start3A_104 = tpu.memref_squeeze %dma_start3A_103 : memref<1x800xi32, #tpu.memory_space<hbm>> -> memref<800xi32, #tpu.memory_space<hbm>>
        %dma_start3A_105 = tpu.memref_slice %arg2[%dma_start3A_102, %add3A_101] : memref<2x3200000xi32, #tpu.memory_space<hbm>> -> memref<1x800xi32, #tpu.memory_space<hbm>>
        %dma_start3A_106 = tpu.memref_squeeze %dma_start3A_105 : memref<1x800xi32, #tpu.memory_space<hbm>> -> memref<800xi32, #tpu.memory_space<hbm>>
        tpu.enqueue_dma source(%dma_start3A_106 : memref<800xi32, #tpu.memory_space<hbm>>) target(%arg6 : memref<800xi32, #tpu.memory_space<vmem>>) target_semaphore(%arg15 : memref<!tpu.dma_semaphore, #tpu.memory_space<semaphore_mem>>)
        %dma_start3A_107 = arith.constant 1 : i32
        %dma_start3A_108 = tpu.memref_slice %arg2[%dma_start3A_107, %add3A_101] : memref<2x3200000xi32, #tpu.memory_space<hbm>> -> memref<1x800xi32, #tpu.memory_space<hbm>>
        %dma_start3A_109 = tpu.memref_squeeze %dma_start3A_108 : memref<1x800xi32, #tpu.memory_space<hbm>> -> memref<800xi32, #tpu.memory_space<hbm>>
        %dma_start3A_110 = tpu.memref_slice %arg2[%dma_start3A_107, %add3A_101] : memref<2x3200000xi32, #tpu.memory_space<hbm>> -> memref<1x800xi32, #tpu.memory_space<hbm>>
        %dma_start3A_111 = tpu.memref_squeeze %dma_start3A_110 : memref<1x800xi32, #tpu.memory_space<hbm>> -> memref<800xi32, #tpu.memory_space<hbm>>
        tpu.enqueue_dma source(%dma_start3A_111 : memref<800xi32, #tpu.memory_space<hbm>>) target(%arg7 : memref<800xi32, #tpu.memory_space<vmem>>) target_semaphore(%arg15 : memref<!tpu.dma_semaphore, #tpu.memory_space<semaphore_mem>>)
      } else {
      }
      %mul3A_76 = arith.constant 2 : i32
      %mul3A_77 = arith.muli %scan3A_57, %mul3A_76 : i32
      %add3A_78 = arith.constant 1 : i32
      %add3A_79 = arith.addi %mul3A_77, %add3A_78 : i32
      %add3A_80 = arith.constant 1 : i32
      %add3A_81 = arith.addi %add3A_79, %add3A_80 : i32
      %lt3A_82 = arith.constant 125 : i32
      %lt3A_83 = arith.cmpi slt, %add3A_81, %lt3A_82 : i32
      %convert_element_type3A_84 = arith.extui %lt3A_83 : i1 to i32
      %cond3A_85 = arith.constant 0 : i32
      %cond3A_86 = arith.cmpi ne, %convert_element_type3A_84, %cond3A_85 : i32
      scf.if %cond3A_86 {
        %mul3A_97 = arith.constant 800 : i32
        %mul3A_98 = arith.muli %add3A_81, %mul3A_97 : i32
        %add3A_99 = arith.addi %mul3A_6, %mul3A_98 : i32
        %dma_wait3A_100 = arith.constant 0 : i32
        %dma_wait3A_101 = tpu.memref_slice %arg2[%dma_wait3A_100, %add3A_99] : memref<2x3200000xi32, #tpu.memory_space<hbm>> -> memref<1x800xi32, #tpu.memory_space<hbm>>
        %dma_wait3A_102 = tpu.memref_squeeze %dma_wait3A_101 : memref<1x800xi32, #tpu.memory_space<hbm>> -> memref<800xi32, #tpu.memory_space<hbm>>
        %dma_wait3A_103 = tpu.memref_slice %arg2[%dma_wait3A_100, %add3A_99] : memref<2x3200000xi32, #tpu.memory_space<hbm>> -> memref<1x800xi32, #tpu.memory_space<hbm>>
        %dma_wait3A_104 = tpu.memref_squeeze %dma_wait3A_103 : memref<1x800xi32, #tpu.memory_space<hbm>> -> memref<800xi32, #tpu.memory_space<hbm>>
        tpu.wait_dma2 semaphore(%arg15 : memref<!tpu.dma_semaphore, #tpu.memory_space<semaphore_mem>>) src(%dma_wait3A_104 : memref<800xi32, #tpu.memory_space<hbm>>) dst(%arg6 : memref<800xi32, #tpu.memory_space<vmem>>)
        %dma_wait3A_105 = arith.constant 1 : i32
        %dma_wait3A_106 = tpu.memref_slice %arg2[%dma_wait3A_105, %add3A_99] : memref<2x3200000xi32, #tpu.memory_space<hbm>> -> memref<1x800xi32, #tpu.memory_space<hbm>>
        %dma_wait3A_107 = tpu.memref_squeeze %dma_wait3A_106 : memref<1x800xi32, #tpu.memory_space<hbm>> -> memref<800xi32, #tpu.memory_space<hbm>>
        %dma_wait3A_108 = tpu.memref_slice %arg2[%dma_wait3A_105, %add3A_99] : memref<2x3200000xi32, #tpu.memory_space<hbm>> -> memref<1x800xi32, #tpu.memory_space<hbm>>
        %dma_wait3A_109 = tpu.memref_squeeze %dma_wait3A_108 : memref<1x800xi32, #tpu.memory_space<hbm>> -> memref<800xi32, #tpu.memory_space<hbm>>
        tpu.wait_dma2 semaphore(%arg15 : memref<!tpu.dma_semaphore, #tpu.memory_space<semaphore_mem>>) src(%dma_wait3A_109 : memref<800xi32, #tpu.memory_space<hbm>>) dst(%arg7 : memref<800xi32, #tpu.memory_space<vmem>>)
        %dma_start3A_110 = arith.constant 0 : i32
        %dma_start3A_111 = arith.constant 0 : i32
        %dma_start3A_112 = tpu.memref_slice %arg3[%dma_start3A_110, %dma_start3A_111] : memref<100352x16xf32, #tpu.memory_space<hbm>> -> memref<100352x16xf32, #tpu.memory_space<hbm>>
        tpu.enqueue_indirect_dma source(%dma_start3A_112 : memref<100352x16xf32, #tpu.memory_space<hbm>>) target(%arg8 : memref<800x16xf32, #tpu.memory_space<vmem>>) offsets(%arg6 : memref<800xi32, #tpu.memory_space<vmem>>) semaphore(%arg13 : memref<!tpu.dma_semaphore, #tpu.memory_space<semaphore_mem>>)
      } else {
      }
      %dma_wait3A_87 = arith.constant 0 : i32
      %dma_wait3A_88 = arith.constant 0 : i32
      %dma_wait3A_89 = tpu.memref_slice %arg3[%dma_wait3A_87, %dma_wait3A_88] : memref<100352x16xf32, #tpu.memory_space<hbm>> -> memref<100352x16xf32, #tpu.memory_space<hbm>>
      tpu.wait_indirect_dma semaphore(%arg14 : memref<!tpu.dma_semaphore, #tpu.memory_space<semaphore_mem>>) src(%dma_wait3A_89 : memref<100352x16xf32, #tpu.memory_space<hbm>>) dst(%arg11 : memref<800x16xf32, #tpu.memory_space<vmem>>)
      "tpu.region"() ({
        %run_scoped3A = tpu.sem_alloc : memref<!tpu.dma_semaphore, #tpu.memory_space<semaphore_mem>>
        %dma_start3A_97 = arith.constant 0 : i32
        %dma_start3A_98 = arith.constant 0 : i32
        %dma_start3A_99 = tpu.memref_slice %arg12[%dma_start3A_97, %dma_start3A_98] : memref<100352x16xf32, #tpu.memory_space<vmem_shared>> -> memref<100352x16xf32, #tpu.memory_space<vmem_shared>>
        tpu.enqueue_indirect_dma source(%arg11 : memref<800x16xf32, #tpu.memory_space<vmem>>) target(%dma_start3A_99 : memref<100352x16xf32, #tpu.memory_space<vmem_shared>>) offsets(%arg10 : memref<800xi32, #tpu.memory_space<vmem>>) semaphore(%run_scoped3A : memref<!tpu.dma_semaphore, #tpu.memory_space<semaphore_mem>>) {add = true}
        %dma_wait3A_100 = arith.constant 0 : i32
        %dma_wait3A_101 = arith.constant 0 : i32
        %dma_wait3A_102 = tpu.memref_slice %arg12[%dma_wait3A_100, %dma_wait3A_101] : memref<100352x16xf32, #tpu.memory_space<vmem_shared>> -> memref<100352x16xf32, #tpu.memory_space<vmem_shared>>
        tpu.wait_indirect_dma semaphore(%run_scoped3A : memref<!tpu.dma_semaphore, #tpu.memory_space<semaphore_mem>>) src(%arg11 : memref<800x16xf32, #tpu.memory_space<vmem>>) dst(%dma_wait3A_102 : memref<100352x16xf32, #tpu.memory_space<vmem_shared>>)
        tpu.yield
      }) : () -> ()
      %add3A_90 = arith.constant 2 : i32
      %add3A_91 = arith.addi %add3A_79, %add3A_90 : i32
      %lt3A_92 = arith.constant 125 : i32
      %lt3A_93 = arith.cmpi slt, %add3A_91, %lt3A_92 : i32
      %convert_element_type3A_94 = arith.extui %lt3A_93 : i1 to i32
      %cond3A_95 = arith.constant 0 : i32
      %cond3A_96 = arith.cmpi ne, %convert_element_type3A_94, %cond3A_95 : i32
      scf.if %cond3A_96 {
        %add3A_97 = arith.constant 2 : i32
        %add3A_98 = arith.addi %add3A_79, %add3A_97 : i32
        %mul3A_99 = arith.constant 800 : i32
        %mul3A_100 = arith.muli %add3A_98, %mul3A_99 : i32
        %add3A_101 = arith.addi %mul3A_6, %mul3A_100 : i32
        %dma_start3A_102 = arith.constant 0 : i32
        %dma_start3A_103 = tpu.memref_slice %arg2[%dma_start3A_102, %add3A_101] : memref<2x3200000xi32, #tpu.memory_space<hbm>> -> memref<1x800xi32, #tpu.memory_space<hbm>>
        %dma_start3A_104 = tpu.memref_squeeze %dma_start3A_103 : memref<1x800xi32, #tpu.memory_space<hbm>> -> memref<800xi32, #tpu.memory_space<hbm>>
        %dma_start3A_105 = tpu.memref_slice %arg2[%dma_start3A_102, %add3A_101] : memref<2x3200000xi32, #tpu.memory_space<hbm>> -> memref<1x800xi32, #tpu.memory_space<hbm>>
        %dma_start3A_106 = tpu.memref_squeeze %dma_start3A_105 : memref<1x800xi32, #tpu.memory_space<hbm>> -> memref<800xi32, #tpu.memory_space<hbm>>
        tpu.enqueue_dma source(%dma_start3A_106 : memref<800xi32, #tpu.memory_space<hbm>>) target(%arg9 : memref<800xi32, #tpu.memory_space<vmem>>) target_semaphore(%arg16 : memref<!tpu.dma_semaphore, #tpu.memory_space<semaphore_mem>>)
        %dma_start3A_107 = arith.constant 1 : i32
        %dma_start3A_108 = tpu.memref_slice %arg2[%dma_start3A_107, %add3A_101] : memref<2x3200000xi32, #tpu.memory_space<hbm>> -> memref<1x800xi32, #tpu.memory_space<hbm>>
        %dma_start3A_109 = tpu.memref_squeeze %dma_start3A_108 : memref<1x800xi32, #tpu.memory_space<hbm>> -> memref<800xi32, #tpu.memory_space<hbm>>
        %dma_start3A_110 = tpu.memref_slice %arg2[%dma_start3A_107, %add3A_101] : memref<2x3200000xi32, #tpu.memory_space<hbm>> -> memref<1x800xi32, #tpu.memory_space<hbm>>
        %dma_start3A_111 = tpu.memref_squeeze %dma_start3A_110 : memref<1x800xi32, #tpu.memory_space<hbm>> -> memref<800xi32, #tpu.memory_space<hbm>>
        tpu.enqueue_dma source(%dma_start3A_111 : memref<800xi32, #tpu.memory_space<hbm>>) target(%arg10 : memref<800xi32, #tpu.memory_space<vmem>>) target_semaphore(%arg16 : memref<!tpu.dma_semaphore, #tpu.memory_space<semaphore_mem>>)
      } else {
      }
    }
    %scan3A_48 = arith.constant 62 : i32
    %dma_wait3A_49 = arith.constant 0 : i32
    %dma_wait3A_50 = arith.constant 0 : i32
    %dma_wait3A_51 = tpu.memref_slice %arg3[%dma_wait3A_49, %dma_wait3A_50] : memref<100352x16xf32, #tpu.memory_space<hbm>> -> memref<100352x16xf32, #tpu.memory_space<hbm>>
    tpu.wait_indirect_dma semaphore(%arg13 : memref<!tpu.dma_semaphore, #tpu.memory_space<semaphore_mem>>) src(%dma_wait3A_51 : memref<100352x16xf32, #tpu.memory_space<hbm>>) dst(%arg8 : memref<800x16xf32, #tpu.memory_space<vmem>>)
    "tpu.region"() ({
      %run_scoped3A = tpu.sem_alloc : memref<!tpu.dma_semaphore, #tpu.memory_space<semaphore_mem>>
      %dma_start3A_57 = arith.constant 0 : i32
      %dma_start3A_58 = arith.constant 0 : i32
      %dma_start3A_59 = tpu.memref_slice %arg12[%dma_start3A_57, %dma_start3A_58] : memref<100352x16xf32, #tpu.memory_space<vmem_shared>> -> memref<100352x16xf32, #tpu.memory_space<vmem_shared>>
      tpu.enqueue_indirect_dma source(%arg8 : memref<800x16xf32, #tpu.memory_space<vmem>>) target(%dma_start3A_59 : memref<100352x16xf32, #tpu.memory_space<vmem_shared>>) offsets(%arg7 : memref<800xi32, #tpu.memory_space<vmem>>) semaphore(%run_scoped3A : memref<!tpu.dma_semaphore, #tpu.memory_space<semaphore_mem>>) {add = true}
      %dma_wait3A_60 = arith.constant 0 : i32
      %dma_wait3A_61 = arith.constant 0 : i32
      %dma_wait3A_62 = tpu.memref_slice %arg12[%dma_wait3A_60, %dma_wait3A_61] : memref<100352x16xf32, #tpu.memory_space<vmem_shared>> -> memref<100352x16xf32, #tpu.memory_space<vmem_shared>>
      tpu.wait_indirect_dma semaphore(%run_scoped3A : memref<!tpu.dma_semaphore, #tpu.memory_space<semaphore_mem>>) src(%arg8 : memref<800x16xf32, #tpu.memory_space<vmem>>) dst(%dma_wait3A_62 : memref<100352x16xf32, #tpu.memory_space<vmem_shared>>)
      tpu.yield
    }) : () -> ()
    %barrier3A_52 = arith.constant 0 : index
    tpu.barrier barrier_id(%barrier3A_52)
    %mul3A_53 = arith.constant 6272 : i32
    %mul3A_54 = arith.muli %arg1, %mul3A_53 : i32
    %mul3A_55 = arith.constant 6272 : i32
    %mul3A_56 = arith.muli %arg1, %mul3A_55 : i32
    "tpu.region"() ({
      %run_scoped3A = tpu.sem_alloc : memref<!tpu.dma_semaphore, #tpu.memory_space<semaphore_mem>>
      %dma_start3A_57 = arith.constant 0 : i32
      %dma_start3A_58 = tpu.memref_slice %arg5[%arg0, %mul3A_56, %dma_start3A_57] : memref<2x100352x16xf32, #tpu.memory_space<hbm>> -> memref<1x6272x16xf32, #tpu.memory_space<hbm>>
      %dma_start3A_59 = tpu.memref_squeeze %dma_start3A_58 : memref<1x6272x16xf32, #tpu.memory_space<hbm>> -> memref<6272x16xf32, #tpu.memory_space<hbm>>
      %dma_start3A_60 = arith.constant 0 : i32
      %dma_start3A_61 = tpu.memref_slice %arg12[%mul3A_54, %dma_start3A_60] : memref<100352x16xf32, #tpu.memory_space<vmem_shared>> -> memref<6272x16xf32, #tpu.memory_space<vmem_shared>>
      tpu.enqueue_dma source(%dma_start3A_61 : memref<6272x16xf32, #tpu.memory_space<vmem_shared>>) target(%dma_start3A_59 : memref<6272x16xf32, #tpu.memory_space<hbm>>) target_semaphore(%run_scoped3A : memref<!tpu.dma_semaphore, #tpu.memory_space<semaphore_mem>>)
      %dma_wait3A_62 = arith.constant 0 : i32
      %dma_wait3A_63 = tpu.memref_slice %arg5[%arg0, %mul3A_56, %dma_wait3A_62] : memref<2x100352x16xf32, #tpu.memory_space<hbm>> -> memref<1x6272x16xf32, #tpu.memory_space<hbm>>
      %dma_wait3A_64 = tpu.memref_squeeze %dma_wait3A_63 : memref<1x6272x16xf32, #tpu.memory_space<hbm>> -> memref<6272x16xf32, #tpu.memory_space<hbm>>
      %dma_wait3A_65 = arith.constant 0 : i32
      %dma_wait3A_66 = tpu.memref_slice %arg12[%mul3A_54, %dma_wait3A_65] : memref<100352x16xf32, #tpu.memory_space<vmem_shared>> -> memref<6272x16xf32, #tpu.memory_space<vmem_shared>>
      tpu.wait_dma2 semaphore(%run_scoped3A : memref<!tpu.dma_semaphore, #tpu.memory_space<semaphore_mem>>) src(%dma_wait3A_66 : memref<6272x16xf32, #tpu.memory_space<vmem_shared>>) dst(%dma_wait3A_64 : memref<6272x16xf32, #tpu.memory_space<hbm>>)
      tpu.yield
    }) : () -> ()
    return
  }
}

#map = affine_map<(d0, d1) -> (0, 0)>
#map1 = affine_map<(d0, d1) -> (0, 0, 0)>
module attributes {stable_mosaic.version = 14 : i64} {
  func.func @_conv_body(%arg0: i32, %arg1: i32, %arg2: memref<2x3200000xi32, #tpu.memory_space<hbm>>, %arg3: memref<100352x16xf32, #tpu.memory_space<hbm>>, %arg4: memref<100352x16xf32, #tpu.memory_space<hbm>>, %arg5: memref<2x100352x16xf32, #tpu.memory_space<hbm>>, %arg6: memref<800xi32, #tpu.memory_space<vmem>>, %arg7: memref<800xi32, #tpu.memory_space<vmem>>, %arg8: memref<800x16xf32, #tpu.memory_space<vmem>>, %arg9: memref<800xi32, #tpu.memory_space<vmem>>, %arg10: memref<800xi32, #tpu.memory_space<vmem>>, %arg11: memref<800x16xf32, #tpu.memory_space<vmem>>, %arg12: memref<100352x16xf32, #tpu.memory_space<vmem_shared>>, %arg13: memref<!tpu.dma_semaphore, #tpu.memory_space<semaphore_mem>>, %arg14: memref<!tpu.dma_semaphore, #tpu.memory_space<semaphore_mem>>, %arg15: memref<!tpu.dma_semaphore, #tpu.memory_space<semaphore_mem>>, %arg16: memref<!tpu.dma_semaphore, #tpu.memory_space<semaphore_mem>>) attributes {dimension_semantics = [#tpu.dimension_semantics<core_parallel>, #tpu.dimension_semantics<subcore_parallel>], iteration_bounds = array<i64: 2, 16>, scalar_prefetch = 0 : i64, scratch_operands = 11 : i64, tpu.core_type = #tpu.core_type<sc_vector_subcore>, window_params = [{transform_indices = #map}, {transform_indices = #map}, {transform_indices = #map}, {transform_indices = #map1}]} {
    %mul3A = arith.constant 6272 : i32
    %mul3A_0 = arith.muli %arg1, %mul3A : i32
    %mul3A_1 = arith.constant 6272 : i32
    %mul3A_2 = arith.muli %arg1, %mul3A_1 : i32
    "tpu.region"() ({
      %run_scoped3A = tpu.sem_alloc : memref<!tpu.dma_semaphore, #tpu.memory_space<semaphore_mem>>
      %dma_start3A_57 = arith.constant 0 : i32
      %dma_start3A_58 = tpu.memref_slice %arg12[%mul3A_2, %dma_start3A_57] : memref<100352x16xf32, #tpu.memory_space<vmem_shared>> -> memref<6272x16xf32, #tpu.memory_space<vmem_shared>>
      %dma_start3A_59 = arith.constant 0 : i32
      %dma_start3A_60 = tpu.memref_slice %arg4[%mul3A_0, %dma_start3A_59] : memref<100352x16xf32, #tpu.memory_space<hbm>> -> memref<6272x16xf32, #tpu.memory_space<hbm>>
      tpu.enqueue_dma source(%dma_start3A_60 : memref<6272x16xf32, #tpu.memory_space<hbm>>) target(%dma_start3A_58 : memref<6272x16xf32, #tpu.memory_space<vmem_shared>>) target_semaphore(%run_scoped3A : memref<!tpu.dma_semaphore, #tpu.memory_space<semaphore_mem>>)
      %dma_wait3A_61 = arith.constant 0 : i32
      %dma_wait3A_62 = tpu.memref_slice %arg12[%mul3A_2, %dma_wait3A_61] : memref<100352x16xf32, #tpu.memory_space<vmem_shared>> -> memref<6272x16xf32, #tpu.memory_space<vmem_shared>>
      %dma_wait3A_63 = arith.constant 0 : i32
      %dma_wait3A_64 = tpu.memref_slice %arg4[%mul3A_0, %dma_wait3A_63] : memref<100352x16xf32, #tpu.memory_space<hbm>> -> memref<6272x16xf32, #tpu.memory_space<hbm>>
      tpu.wait_dma2 semaphore(%run_scoped3A : memref<!tpu.dma_semaphore, #tpu.memory_space<semaphore_mem>>) src(%dma_wait3A_64 : memref<6272x16xf32, #tpu.memory_space<hbm>>) dst(%dma_wait3A_62 : memref<6272x16xf32, #tpu.memory_space<vmem_shared>>)
      tpu.yield
    }) : () -> ()
    %barrier3A = arith.constant 0 : index
    tpu.barrier barrier_id(%barrier3A)
    %mul3A_3 = arith.constant 16 : i32
    %mul3A_4 = arith.muli %arg0, %mul3A_3 : i32
    %add3A = arith.addi %mul3A_4, %arg1 : i32
    %mul3A_5 = arith.constant 100000 : i32
    %mul3A_6 = arith.muli %add3A, %mul3A_5 : i32
    %add3A_7 = arith.constant 0 : i32
    %add3A_8 = arith.addi %mul3A_6, %add3A_7 : i32
    %dma_start3A = arith.constant 0 : i32
    %dma_start3A_9 = tpu.memref_slice %arg2[%dma_start3A, %add3A_8] : memref<2x3200000xi32, #tpu.memory_space<hbm>> -> memref<1x800xi32, #tpu.memory_space<hbm>>
    %dma_start3A_10 = tpu.memref_squeeze %dma_start3A_9 : memref<1x800xi32, #tpu.memory_space<hbm>> -> memref<800xi32, #tpu.memory_space<hbm>>
    %dma_start3A_11 = tpu.memref_slice %arg2[%dma_start3A, %add3A_8] : memref<2x3200000xi32, #tpu.memory_space<hbm>> -> memref<1x800xi32, #tpu.memory_space<hbm>>
    %dma_start3A_12 = tpu.memref_squeeze %dma_start3A_11 : memref<1x800xi32, #tpu.memory_space<hbm>> -> memref<800xi32, #tpu.memory_space<hbm>>
    tpu.enqueue_dma source(%dma_start3A_12 : memref<800xi32, #tpu.memory_space<hbm>>) target(%arg6 : memref<800xi32, #tpu.memory_space<vmem>>) target_semaphore(%arg15 : memref<!tpu.dma_semaphore, #tpu.memory_space<semaphore_mem>>)
    %dma_start3A_13 = arith.constant 1 : i32
    %dma_start3A_14 = tpu.memref_slice %arg2[%dma_start3A_13, %add3A_8] : memref<2x3200000xi32, #tpu.memory_space<hbm>> -> memref<1x800xi32, #tpu.memory_space<hbm>>
    %dma_start3A_15 = tpu.memref_squeeze %dma_start3A_14 : memref<1x800xi32, #tpu.memory_space<hbm>> -> memref<800xi32, #tpu.memory_space<hbm>>
    %dma_start3A_16 = tpu.memref_slice %arg2[%dma_start3A_13, %add3A_8] : memref<2x3200000xi32, #tpu.memory_space<hbm>> -> memref<1x800xi32, #tpu.memory_space<hbm>>
    %dma_start3A_17 = tpu.memref_squeeze %dma_start3A_16 : memref<1x800xi32, #tpu.memory_space<hbm>> -> memref<800xi32, #tpu.memory_space<hbm>>
    tpu.enqueue_dma source(%dma_start3A_17 : memref<800xi32, #tpu.memory_space<hbm>>) target(%arg7 : memref<800xi32, #tpu.memory_space<vmem>>) target_semaphore(%arg15 : memref<!tpu.dma_semaphore, #tpu.memory_space<semaphore_mem>>)
    %add3A_18 = arith.constant 0 : i32
    %add3A_19 = arith.addi %mul3A_6, %add3A_18 : i32
    %dma_wait3A = arith.constant 0 : i32
    %dma_wait3A_20 = tpu.memref_slice %arg2[%dma_wait3A, %add3A_19] : memref<2x3200000xi32, #tpu.memory_space<hbm>> -> memref<1x800xi32, #tpu.memory_space<hbm>>
    %dma_wait3A_21 = tpu.memref_squeeze %dma_wait3A_20 : memref<1x800xi32, #tpu.memory_space<hbm>> -> memref<800xi32, #tpu.memory_space<hbm>>
    %dma_wait3A_22 = tpu.memref_slice %arg2[%dma_wait3A, %add3A_19] : memref<2x3200000xi32, #tpu.memory_space<hbm>> -> memref<1x800xi32, #tpu.memory_space<hbm>>
    %dma_wait3A_23 = tpu.memref_squeeze %dma_wait3A_22 : memref<1x800xi32, #tpu.memory_space<hbm>> -> memref<800xi32, #tpu.memory_space<hbm>>
    tpu.wait_dma2 semaphore(%arg15 : memref<!tpu.dma_semaphore, #tpu.memory_space<semaphore_mem>>) src(%dma_wait3A_23 : memref<800xi32, #tpu.memory_space<hbm>>) dst(%arg6 : memref<800xi32, #tpu.memory_space<vmem>>)
    %dma_wait3A_24 = arith.constant 1 : i32
    %dma_wait3A_25 = tpu.memref_slice %arg2[%dma_wait3A_24, %add3A_19] : memref<2x3200000xi32, #tpu.memory_space<hbm>> -> memref<1x800xi32, #tpu.memory_space<hbm>>
    %dma_wait3A_26 = tpu.memref_squeeze %dma_wait3A_25 : memref<1x800xi32, #tpu.memory_space<hbm>> -> memref<800xi32, #tpu.memory_space<hbm>>
    %dma_wait3A_27 = tpu.memref_slice %arg2[%dma_wait3A_24, %add3A_19] : memref<2x3200000xi32, #tpu.memory_space<hbm>> -> memref<1x800xi32, #tpu.memory_space<hbm>>
    %dma_wait3A_28 = tpu.memref_squeeze %dma_wait3A_27 : memref<1x800xi32, #tpu.memory_space<hbm>> -> memref<800xi32, #tpu.memory_space<hbm>>
    tpu.wait_dma2 semaphore(%arg15 : memref<!tpu.dma_semaphore, #tpu.memory_space<semaphore_mem>>) src(%dma_wait3A_28 : memref<800xi32, #tpu.memory_space<hbm>>) dst(%arg7 : memref<800xi32, #tpu.memory_space<vmem>>)
    %dma_start3A_29 = arith.constant 0 : i32
    %dma_start3A_30 = arith.constant 0 : i32
    %dma_start3A_31 = tpu.memref_slice %arg3[%dma_start3A_29, %dma_start3A_30] : memref<100352x16xf32, #tpu.memory_space<hbm>> -> memref<100352x16xf32, #tpu.memory_space<hbm>>
    tpu.enqueue_indirect_dma source(%dma_start3A_31 : memref<100352x16xf32, #tpu.memory_space<hbm>>) target(%arg8 : memref<800x16xf32, #tpu.memory_space<vmem>>) offsets(%arg6 : memref<800xi32, #tpu.memory_space<vmem>>) semaphore(%arg13 : memref<!tpu.dma_semaphore, #tpu.memory_space<semaphore_mem>>)
    %add3A_32 = arith.constant 800 : i32
    %add3A_33 = arith.addi %mul3A_6, %add3A_32 : i32
    %dma_start3A_34 = arith.constant 0 : i32
    %dma_start3A_35 = tpu.memref_slice %arg2[%dma_start3A_34, %add3A_33] : memref<2x3200000xi32, #tpu.memory_space<hbm>> -> memref<1x800xi32, #tpu.memory_space<hbm>>
    %dma_start3A_36 = tpu.memref_squeeze %dma_start3A_35 : memref<1x800xi32, #tpu.memory_space<hbm>> -> memref<800xi32, #tpu.memory_space<hbm>>
    %dma_start3A_37 = tpu.memref_slice %arg2[%dma_start3A_34, %add3A_33] : memref<2x3200000xi32, #tpu.memory_space<hbm>> -> memref<1x800xi32, #tpu.memory_space<hbm>>
    %dma_start3A_38 = tpu.memref_squeeze %dma_start3A_37 : memref<1x800xi32, #tpu.memory_space<hbm>> -> memref<800xi32, #tpu.memory_space<hbm>>
    tpu.enqueue_dma source(%dma_start3A_38 : memref<800xi32, #tpu.memory_space<hbm>>) target(%arg9 : memref<800xi32, #tpu.memory_space<vmem>>) target_semaphore(%arg16 : memref<!tpu.dma_semaphore, #tpu.memory_space<semaphore_mem>>)
    %dma_start3A_39 = arith.constant 1 : i32
    %dma_start3A_40 = tpu.memref_slice %arg2[%dma_start3A_39, %add3A_33] : memref<2x3200000xi32, #tpu.memory_space<hbm>> -> memref<1x800xi32, #tpu.memory_space<hbm>>
    %dma_start3A_41 = tpu.memref_squeeze %dma_start3A_40 : memref<1x800xi32, #tpu.memory_space<hbm>> -> memref<800xi32, #tpu.memory_space<hbm>>
    %dma_start3A_42 = tpu.memref_slice %arg2[%dma_start3A_39, %add3A_33] : memref<2x3200000xi32, #tpu.memory_space<hbm>> -> memref<1x800xi32, #tpu.memory_space<hbm>>
    %dma_start3A_43 = tpu.memref_squeeze %dma_start3A_42 : memref<1x800xi32, #tpu.memory_space<hbm>> -> memref<800xi32, #tpu.memory_space<hbm>>
    tpu.enqueue_dma source(%dma_start3A_43 : memref<800xi32, #tpu.memory_space<hbm>>) target(%arg10 : memref<800xi32, #tpu.memory_space<vmem>>) target_semaphore(%arg16 : memref<!tpu.dma_semaphore, #tpu.memory_space<semaphore_mem>>)
    %scan3A = arith.constant 0 : i32
    %scan3A_44 = arith.constant 0 : i32
    %scan3A_45 = arith.constant 62 : i32
    %scan3A_46 = arith.addi %scan3A_44, %scan3A_45 : i32
    %scan3A_47 = arith.constant 1 : i32
    scf.for %scan3A_57 = %scan3A_44 to %scan3A_46 step %scan3A_47  : i32 {
      %mul3A_58 = arith.constant 2 : i32
      %mul3A_59 = arith.muli %scan3A_57, %mul3A_58 : i32
      %add3A_60 = arith.constant 0 : i32
      %add3A_61 = arith.addi %mul3A_59, %add3A_60 : i32
      %add3A_62 = arith.constant 1 : i32
      %add3A_63 = arith.addi %add3A_61, %add3A_62 : i32
      %lt3A = arith.constant 125 : i32
      %lt3A_64 = arith.cmpi slt, %add3A_63, %lt3A : i32
      %convert_element_type3A = arith.extui %lt3A_64 : i1 to i32
      %cond3A = arith.constant 0 : i32
      %cond3A_65 = arith.cmpi ne, %convert_element_type3A, %cond3A : i32
      scf.if %cond3A_65 {
        %mul3A_97 = arith.constant 800 : i32
        %mul3A_98 = arith.muli %add3A_63, %mul3A_97 : i32
        %add3A_99 = arith.addi %mul3A_6, %mul3A_98 : i32
        %dma_wait3A_100 = arith.constant 0 : i32
        %dma_wait3A_101 = tpu.memref_slice %arg2[%dma_wait3A_100, %add3A_99] : memref<2x3200000xi32, #tpu.memory_space<hbm>> -> memref<1x800xi32, #tpu.memory_space<hbm>>
        %dma_wait3A_102 = tpu.memref_squeeze %dma_wait3A_101 : memref<1x800xi32, #tpu.memory_space<hbm>> -> memref<800xi32, #tpu.memory_space<hbm>>
        %dma_wait3A_103 = tpu.memref_slice %arg2[%dma_wait3A_100, %add3A_99] : memref<2x3200000xi32, #tpu.memory_space<hbm>> -> memref<1x800xi32, #tpu.memory_space<hbm>>
        %dma_wait3A_104 = tpu.memref_squeeze %dma_wait3A_103 : memref<1x800xi32, #tpu.memory_space<hbm>> -> memref<800xi32, #tpu.memory_space<hbm>>
        tpu.wait_dma2 semaphore(%arg16 : memref<!tpu.dma_semaphore, #tpu.memory_space<semaphore_mem>>) src(%dma_wait3A_104 : memref<800xi32, #tpu.memory_space<hbm>>) dst(%arg9 : memref<800xi32, #tpu.memory_space<vmem>>)
        %dma_wait3A_105 = arith.constant 1 : i32
        %dma_wait3A_106 = tpu.memref_slice %arg2[%dma_wait3A_105, %add3A_99] : memref<2x3200000xi32, #tpu.memory_space<hbm>> -> memref<1x800xi32, #tpu.memory_space<hbm>>
        %dma_wait3A_107 = tpu.memref_squeeze %dma_wait3A_106 : memref<1x800xi32, #tpu.memory_space<hbm>> -> memref<800xi32, #tpu.memory_space<hbm>>
        %dma_wait3A_108 = tpu.memref_slice %arg2[%dma_wait3A_105, %add3A_99] : memref<2x3200000xi32, #tpu.memory_space<hbm>> -> memref<1x800xi32, #tpu.memory_space<hbm>>
        %dma_wait3A_109 = tpu.memref_squeeze %dma_wait3A_108 : memref<1x800xi32, #tpu.memory_space<hbm>> -> memref<800xi32, #tpu.memory_space<hbm>>
        tpu.wait_dma2 semaphore(%arg16 : memref<!tpu.dma_semaphore, #tpu.memory_space<semaphore_mem>>) src(%dma_wait3A_109 : memref<800xi32, #tpu.memory_space<hbm>>) dst(%arg10 : memref<800xi32, #tpu.memory_space<vmem>>)
        %dma_start3A_110 = arith.constant 0 : i32
        %dma_start3A_111 = arith.constant 0 : i32
        %dma_start3A_112 = tpu.memref_slice %arg3[%dma_start3A_110, %dma_start3A_111] : memref<100352x16xf32, #tpu.memory_space<hbm>> -> memref<100352x16xf32, #tpu.memory_space<hbm>>
        tpu.enqueue_indirect_dma source(%dma_start3A_112 : memref<100352x16xf32, #tpu.memory_space<hbm>>) target(%arg11 : memref<800x16xf32, #tpu.memory_space<vmem>>) offsets(%arg9 : memref<800xi32, #tpu.memory_space<vmem>>) semaphore(%arg14 : memref<!tpu.dma_semaphore, #tpu.memory_space<semaphore_mem>>)
      } else {
      }
      %dma_wait3A_66 = arith.constant 0 : i32
      %dma_wait3A_67 = arith.constant 0 : i32
      %dma_wait3A_68 = tpu.memref_slice %arg3[%dma_wait3A_66, %dma_wait3A_67] : memref<100352x16xf32, #tpu.memory_space<hbm>> -> memref<100352x16xf32, #tpu.memory_space<hbm>>
      tpu.wait_indirect_dma semaphore(%arg13 : memref<!tpu.dma_semaphore, #tpu.memory_space<semaphore_mem>>) src(%dma_wait3A_68 : memref<100352x16xf32, #tpu.memory_space<hbm>>) dst(%arg8 : memref<800x16xf32, #tpu.memory_space<vmem>>)
      "tpu.region"() ({
        %run_scoped3A = tpu.sem_alloc : memref<!tpu.dma_semaphore, #tpu.memory_space<semaphore_mem>>
        %dma_start3A_97 = arith.constant 0 : i32
        %dma_start3A_98 = arith.constant 0 : i32
        %dma_start3A_99 = tpu.memref_slice %arg12[%dma_start3A_97, %dma_start3A_98] : memref<100352x16xf32, #tpu.memory_space<vmem_shared>> -> memref<100352x16xf32, #tpu.memory_space<vmem_shared>>
        tpu.enqueue_indirect_dma source(%arg8 : memref<800x16xf32, #tpu.memory_space<vmem>>) target(%dma_start3A_99 : memref<100352x16xf32, #tpu.memory_space<vmem_shared>>) offsets(%arg7 : memref<800xi32, #tpu.memory_space<vmem>>) semaphore(%run_scoped3A : memref<!tpu.dma_semaphore, #tpu.memory_space<semaphore_mem>>) {add = true}
        %dma_wait3A_100 = arith.constant 0 : i32
        %dma_wait3A_101 = arith.constant 0 : i32
        %dma_wait3A_102 = tpu.memref_slice %arg12[%dma_wait3A_100, %dma_wait3A_101] : memref<100352x16xf32, #tpu.memory_space<vmem_shared>> -> memref<100352x16xf32, #tpu.memory_space<vmem_shared>>
        tpu.wait_indirect_dma semaphore(%run_scoped3A : memref<!tpu.dma_semaphore, #tpu.memory_space<semaphore_mem>>) src(%arg8 : memref<800x16xf32, #tpu.memory_space<vmem>>) dst(%dma_wait3A_102 : memref<100352x16xf32, #tpu.memory_space<vmem_shared>>)
        tpu.yield
      }) : () -> ()
      %add3A_69 = arith.constant 2 : i32
      %add3A_70 = arith.addi %add3A_61, %add3A_69 : i32
      %lt3A_71 = arith.constant 125 : i32
      %lt3A_72 = arith.cmpi slt, %add3A_70, %lt3A_71 : i32
      %convert_element_type3A_73 = arith.extui %lt3A_72 : i1 to i32
      %cond3A_74 = arith.constant 0 : i32
      %cond3A_75 = arith.cmpi ne, %convert_element_type3A_73, %cond3A_74 : i32
      scf.if %cond3A_75 {
        %add3A_97 = arith.constant 2 : i32
        %add3A_98 = arith.addi %add3A_61, %add3A_97 : i32
        %mul3A_99 = arith.constant 800 : i32
        %mul3A_100 = arith.muli %add3A_98, %mul3A_99 : i32
        %add3A_101 = arith.addi %mul3A_6, %mul3A_100 : i32
        %dma_start3A_102 = arith.constant 0 : i32
        %dma_start3A_103 = tpu.memref_slice %arg2[%dma_start3A_102, %add3A_101] : memref<2x3200000xi32, #tpu.memory_space<hbm>> -> memref<1x800xi32, #tpu.memory_space<hbm>>
        %dma_start3A_104 = tpu.memref_squeeze %dma_start3A_103 : memref<1x800xi32, #tpu.memory_space<hbm>> -> memref<800xi32, #tpu.memory_space<hbm>>
        %dma_start3A_105 = tpu.memref_slice %arg2[%dma_start3A_102, %add3A_101] : memref<2x3200000xi32, #tpu.memory_space<hbm>> -> memref<1x800xi32, #tpu.memory_space<hbm>>
        %dma_start3A_106 = tpu.memref_squeeze %dma_start3A_105 : memref<1x800xi32, #tpu.memory_space<hbm>> -> memref<800xi32, #tpu.memory_space<hbm>>
        tpu.enqueue_dma source(%dma_start3A_106 : memref<800xi32, #tpu.memory_space<hbm>>) target(%arg6 : memref<800xi32, #tpu.memory_space<vmem>>) target_semaphore(%arg15 : memref<!tpu.dma_semaphore, #tpu.memory_space<semaphore_mem>>)
        %dma_start3A_107 = arith.constant 1 : i32
        %dma_start3A_108 = tpu.memref_slice %arg2[%dma_start3A_107, %add3A_101] : memref<2x3200000xi32, #tpu.memory_space<hbm>> -> memref<1x800xi32, #tpu.memory_space<hbm>>
        %dma_start3A_109 = tpu.memref_squeeze %dma_start3A_108 : memref<1x800xi32, #tpu.memory_space<hbm>> -> memref<800xi32, #tpu.memory_space<hbm>>
        %dma_start3A_110 = tpu.memref_slice %arg2[%dma_start3A_107, %add3A_101] : memref<2x3200000xi32, #tpu.memory_space<hbm>> -> memref<1x800xi32, #tpu.memory_space<hbm>>
        %dma_start3A_111 = tpu.memref_squeeze %dma_start3A_110 : memref<1x800xi32, #tpu.memory_space<hbm>> -> memref<800xi32, #tpu.memory_space<hbm>>
        tpu.enqueue_dma source(%dma_start3A_111 : memref<800xi32, #tpu.memory_space<hbm>>) target(%arg7 : memref<800xi32, #tpu.memory_space<vmem>>) target_semaphore(%arg15 : memref<!tpu.dma_semaphore, #tpu.memory_space<semaphore_mem>>)
      } else {
      }
      %mul3A_76 = arith.constant 2 : i32
      %mul3A_77 = arith.muli %scan3A_57, %mul3A_76 : i32
      %add3A_78 = arith.constant 1 : i32
      %add3A_79 = arith.addi %mul3A_77, %add3A_78 : i32
      %add3A_80 = arith.constant 1 : i32
      %add3A_81 = arith.addi %add3A_79, %add3A_80 : i32
      %lt3A_82 = arith.constant 125 : i32
      %lt3A_83 = arith.cmpi slt, %add3A_81, %lt3A_82 : i32
      %convert_element_type3A_84 = arith.extui %lt3A_83 : i1 to i32
      %cond3A_85 = arith.constant 0 : i32
      %cond3A_86 = arith.cmpi ne, %convert_element_type3A_84, %cond3A_85 : i32
      scf.if %cond3A_86 {
        %mul3A_97 = arith.constant 800 : i32
        %mul3A_98 = arith.muli %add3A_81, %mul3A_97 : i32
        %add3A_99 = arith.addi %mul3A_6, %mul3A_98 : i32
        %dma_wait3A_100 = arith.constant 0 : i32
        %dma_wait3A_101 = tpu.memref_slice %arg2[%dma_wait3A_100, %add3A_99] : memref<2x3200000xi32, #tpu.memory_space<hbm>> -> memref<1x800xi32, #tpu.memory_space<hbm>>
        %dma_wait3A_102 = tpu.memref_squeeze %dma_wait3A_101 : memref<1x800xi32, #tpu.memory_space<hbm>> -> memref<800xi32, #tpu.memory_space<hbm>>
        %dma_wait3A_103 = tpu.memref_slice %arg2[%dma_wait3A_100, %add3A_99] : memref<2x3200000xi32, #tpu.memory_space<hbm>> -> memref<1x800xi32, #tpu.memory_space<hbm>>
        %dma_wait3A_104 = tpu.memref_squeeze %dma_wait3A_103 : memref<1x800xi32, #tpu.memory_space<hbm>> -> memref<800xi32, #tpu.memory_space<hbm>>
        tpu.wait_dma2 semaphore(%arg15 : memref<!tpu.dma_semaphore, #tpu.memory_space<semaphore_mem>>) src(%dma_wait3A_104 : memref<800xi32, #tpu.memory_space<hbm>>) dst(%arg6 : memref<800xi32, #tpu.memory_space<vmem>>)
        %dma_wait3A_105 = arith.constant 1 : i32
        %dma_wait3A_106 = tpu.memref_slice %arg2[%dma_wait3A_105, %add3A_99] : memref<2x3200000xi32, #tpu.memory_space<hbm>> -> memref<1x800xi32, #tpu.memory_space<hbm>>
        %dma_wait3A_107 = tpu.memref_squeeze %dma_wait3A_106 : memref<1x800xi32, #tpu.memory_space<hbm>> -> memref<800xi32, #tpu.memory_space<hbm>>
        %dma_wait3A_108 = tpu.memref_slice %arg2[%dma_wait3A_105, %add3A_99] : memref<2x3200000xi32, #tpu.memory_space<hbm>> -> memref<1x800xi32, #tpu.memory_space<hbm>>
        %dma_wait3A_109 = tpu.memref_squeeze %dma_wait3A_108 : memref<1x800xi32, #tpu.memory_space<hbm>> -> memref<800xi32, #tpu.memory_space<hbm>>
        tpu.wait_dma2 semaphore(%arg15 : memref<!tpu.dma_semaphore, #tpu.memory_space<semaphore_mem>>) src(%dma_wait3A_109 : memref<800xi32, #tpu.memory_space<hbm>>) dst(%arg7 : memref<800xi32, #tpu.memory_space<vmem>>)
        %dma_start3A_110 = arith.constant 0 : i32
        %dma_start3A_111 = arith.constant 0 : i32
        %dma_start3A_112 = tpu.memref_slice %arg3[%dma_start3A_110, %dma_start3A_111] : memref<100352x16xf32, #tpu.memory_space<hbm>> -> memref<100352x16xf32, #tpu.memory_space<hbm>>
        tpu.enqueue_indirect_dma source(%dma_start3A_112 : memref<100352x16xf32, #tpu.memory_space<hbm>>) target(%arg8 : memref<800x16xf32, #tpu.memory_space<vmem>>) offsets(%arg6 : memref<800xi32, #tpu.memory_space<vmem>>) semaphore(%arg13 : memref<!tpu.dma_semaphore, #tpu.memory_space<semaphore_mem>>)
      } else {
      }
      %dma_wait3A_87 = arith.constant 0 : i32
      %dma_wait3A_88 = arith.constant 0 : i32
      %dma_wait3A_89 = tpu.memref_slice %arg3[%dma_wait3A_87, %dma_wait3A_88] : memref<100352x16xf32, #tpu.memory_space<hbm>> -> memref<100352x16xf32, #tpu.memory_space<hbm>>
      tpu.wait_indirect_dma semaphore(%arg14 : memref<!tpu.dma_semaphore, #tpu.memory_space<semaphore_mem>>) src(%dma_wait3A_89 : memref<100352x16xf32, #tpu.memory_space<hbm>>) dst(%arg11 : memref<800x16xf32, #tpu.memory_space<vmem>>)
      "tpu.region"() ({
        %run_scoped3A = tpu.sem_alloc : memref<!tpu.dma_semaphore, #tpu.memory_space<semaphore_mem>>
        %dma_start3A_97 = arith.constant 0 : i32
        %dma_start3A_98 = arith.constant 0 : i32
        %dma_start3A_99 = tpu.memref_slice %arg12[%dma_start3A_97, %dma_start3A_98] : memref<100352x16xf32, #tpu.memory_space<vmem_shared>> -> memref<100352x16xf32, #tpu.memory_space<vmem_shared>>
        tpu.enqueue_indirect_dma source(%arg11 : memref<800x16xf32, #tpu.memory_space<vmem>>) target(%dma_start3A_99 : memref<100352x16xf32, #tpu.memory_space<vmem_shared>>) offsets(%arg10 : memref<800xi32, #tpu.memory_space<vmem>>) semaphore(%run_scoped3A : memref<!tpu.dma_semaphore, #tpu.memory_space<semaphore_mem>>) {add = true}
        %dma_wait3A_100 = arith.constant 0 : i32
        %dma_wait3A_101 = arith.constant 0 : i32
        %dma_wait3A_102 = tpu.memref_slice %arg12[%dma_wait3A_100, %dma_wait3A_101] : memref<100352x16xf32, #tpu.memory_space<vmem_shared>> -> memref<100352x16xf32, #tpu.memory_space<vmem_shared>>
        tpu.wait_indirect_dma semaphore(%run_scoped3A : memref<!tpu.dma_semaphore, #tpu.memory_space<semaphore_mem>>) src(%arg11 : memref<800x16xf32, #tpu.memory_space<vmem>>) dst(%dma_wait3A_102 : memref<100352x16xf32, #tpu.memory_space<vmem_shared>>)
        tpu.yield
      }) : () -> ()
      %add3A_90 = arith.constant 2 : i32
      %add3A_91 = arith.addi %add3A_79, %add3A_90 : i32
      %lt3A_92 = arith.constant 125 : i32
      %lt3A_93 = arith.cmpi slt, %add3A_91, %lt3A_92 : i32
      %convert_element_type3A_94 = arith.extui %lt3A_93 : i1 to i32
      %cond3A_95 = arith.constant 0 : i32
      %cond3A_96 = arith.cmpi ne, %convert_element_type3A_94, %cond3A_95 : i32
      scf.if %cond3A_96 {
        %add3A_97 = arith.constant 2 : i32
        %add3A_98 = arith.addi %add3A_79, %add3A_97 : i32
        %mul3A_99 = arith.constant 800 : i32
        %mul3A_100 = arith.muli %add3A_98, %mul3A_99 : i32
        %add3A_101 = arith.addi %mul3A_6, %mul3A_100 : i32
        %dma_start3A_102 = arith.constant 0 : i32
        %dma_start3A_103 = tpu.memref_slice %arg2[%dma_start3A_102, %add3A_101] : memref<2x3200000xi32, #tpu.memory_space<hbm>> -> memref<1x800xi32, #tpu.memory_space<hbm>>
        %dma_start3A_104 = tpu.memref_squeeze %dma_start3A_103 : memref<1x800xi32, #tpu.memory_space<hbm>> -> memref<800xi32, #tpu.memory_space<hbm>>
        %dma_start3A_105 = tpu.memref_slice %arg2[%dma_start3A_102, %add3A_101] : memref<2x3200000xi32, #tpu.memory_space<hbm>> -> memref<1x800xi32, #tpu.memory_space<hbm>>
        %dma_start3A_106 = tpu.memref_squeeze %dma_start3A_105 : memref<1x800xi32, #tpu.memory_space<hbm>> -> memref<800xi32, #tpu.memory_space<hbm>>
        tpu.enqueue_dma source(%dma_start3A_106 : memref<800xi32, #tpu.memory_space<hbm>>) target(%arg9 : memref<800xi32, #tpu.memory_space<vmem>>) target_semaphore(%arg16 : memref<!tpu.dma_semaphore, #tpu.memory_space<semaphore_mem>>)
        %dma_start3A_107 = arith.constant 1 : i32
        %dma_start3A_108 = tpu.memref_slice %arg2[%dma_start3A_107, %add3A_101] : memref<2x3200000xi32, #tpu.memory_space<hbm>> -> memref<1x800xi32, #tpu.memory_space<hbm>>
        %dma_start3A_109 = tpu.memref_squeeze %dma_start3A_108 : memref<1x800xi32, #tpu.memory_space<hbm>> -> memref<800xi32, #tpu.memory_space<hbm>>
        %dma_start3A_110 = tpu.memref_slice %arg2[%dma_start3A_107, %add3A_101] : memref<2x3200000xi32, #tpu.memory_space<hbm>> -> memref<1x800xi32, #tpu.memory_space<hbm>>
        %dma_start3A_111 = tpu.memref_squeeze %dma_start3A_110 : memref<1x800xi32, #tpu.memory_space<hbm>> -> memref<800xi32, #tpu.memory_space<hbm>>
        tpu.enqueue_dma source(%dma_start3A_111 : memref<800xi32, #tpu.memory_space<hbm>>) target(%arg10 : memref<800xi32, #tpu.memory_space<vmem>>) target_semaphore(%arg16 : memref<!tpu.dma_semaphore, #tpu.memory_space<semaphore_mem>>)
      } else {
      }
    }
    %scan3A_48 = arith.constant 62 : i32
    %dma_wait3A_49 = arith.constant 0 : i32
    %dma_wait3A_50 = arith.constant 0 : i32
    %dma_wait3A_51 = tpu.memref_slice %arg3[%dma_wait3A_49, %dma_wait3A_50] : memref<100352x16xf32, #tpu.memory_space<hbm>> -> memref<100352x16xf32, #tpu.memory_space<hbm>>
    tpu.wait_indirect_dma semaphore(%arg13 : memref<!tpu.dma_semaphore, #tpu.memory_space<semaphore_mem>>) src(%dma_wait3A_51 : memref<100352x16xf32, #tpu.memory_space<hbm>>) dst(%arg8 : memref<800x16xf32, #tpu.memory_space<vmem>>)
    "tpu.region"() ({
      %run_scoped3A = tpu.sem_alloc : memref<!tpu.dma_semaphore, #tpu.memory_space<semaphore_mem>>
      %dma_start3A_57 = arith.constant 0 : i32
      %dma_start3A_58 = arith.constant 0 : i32
      %dma_start3A_59 = tpu.memref_slice %arg12[%dma_start3A_57, %dma_start3A_58] : memref<100352x16xf32, #tpu.memory_space<vmem_shared>> -> memref<100352x16xf32, #tpu.memory_space<vmem_shared>>
      tpu.enqueue_indirect_dma source(%arg8 : memref<800x16xf32, #tpu.memory_space<vmem>>) target(%dma_start3A_59 : memref<100352x16xf32, #tpu.memory_space<vmem_shared>>) offsets(%arg7 : memref<800xi32, #tpu.memory_space<vmem>>) semaphore(%run_scoped3A : memref<!tpu.dma_semaphore, #tpu.memory_space<semaphore_mem>>) {add = true}
      %dma_wait3A_60 = arith.constant 0 : i32
      %dma_wait3A_61 = arith.constant 0 : i32
      %dma_wait3A_62 = tpu.memref_slice %arg12[%dma_wait3A_60, %dma_wait3A_61] : memref<100352x16xf32, #tpu.memory_space<vmem_shared>> -> memref<100352x16xf32, #tpu.memory_space<vmem_shared>>
      tpu.wait_indirect_dma semaphore(%run_scoped3A : memref<!tpu.dma_semaphore, #tpu.memory_space<semaphore_mem>>) src(%arg8 : memref<800x16xf32, #tpu.memory_space<vmem>>) dst(%dma_wait3A_62 : memref<100352x16xf32, #tpu.memory_space<vmem_shared>>)
      tpu.yield
    }) : () -> ()
    %barrier3A_52 = arith.constant 0 : index
    tpu.barrier barrier_id(%barrier3A_52)
    %mul3A_53 = arith.constant 6272 : i32
    %mul3A_54 = arith.muli %arg1, %mul3A_53 : i32
    %mul3A_55 = arith.constant 6272 : i32
    %mul3A_56 = arith.muli %arg1, %mul3A_55 : i32
    "tpu.region"() ({
      %run_scoped3A = tpu.sem_alloc : memref<!tpu.dma_semaphore, #tpu.memory_space<semaphore_mem>>
      %dma_start3A_57 = arith.constant 0 : i32
      %dma_start3A_58 = tpu.memref_slice %arg5[%arg0, %mul3A_56, %dma_start3A_57] : memref<2x100352x16xf32, #tpu.memory_space<hbm>> -> memref<1x6272x16xf32, #tpu.memory_space<hbm>>
      %dma_start3A_59 = tpu.memref_squeeze %dma_start3A_58 : memref<1x6272x16xf32, #tpu.memory_space<hbm>> -> memref<6272x16xf32, #tpu.memory_space<hbm>>
      %dma_start3A_60 = arith.constant 0 : i32
      %dma_start3A_61 = tpu.memref_slice %arg12[%mul3A_54, %dma_start3A_60] : memref<100352x16xf32, #tpu.memory_space<vmem_shared>> -> memref<6272x16xf32, #tpu.memory_space<vmem_shared>>
      tpu.enqueue_dma source(%dma_start3A_61 : memref<6272x16xf32, #tpu.memory_space<vmem_shared>>) target(%dma_start3A_59 : memref<6272x16xf32, #tpu.memory_space<hbm>>) target_semaphore(%run_scoped3A : memref<!tpu.dma_semaphore, #tpu.memory_space<semaphore_mem>>)
      %dma_wait3A_62 = arith.constant 0 : i32
      %dma_wait3A_63 = tpu.memref_slice %arg5[%arg0, %mul3A_56, %dma_wait3A_62] : memref<2x100352x16xf32, #tpu.memory_space<hbm>> -> memref<1x6272x16xf32, #tpu.memory_space<hbm>>
      %dma_wait3A_64 = tpu.memref_squeeze %dma_wait3A_63 : memref<1x6272x16xf32, #tpu.memory_space<hbm>> -> memref<6272x16xf32, #tpu.memory_space<hbm>>
      %dma_wait3A_65 = arith.constant 0 : i32
      %dma_wait3A_66 = tpu.memref_slice %arg12[%mul3A_54, %dma_wait3A_65] : memref<100352x16xf32, #tpu.memory_space<vmem_shared>> -> memref<6272x16xf32, #tpu.memory_space<vmem_shared>>
      tpu.wait_dma2 semaphore(%run_scoped3A : memref<!tpu.dma_semaphore, #tpu.memory_space<semaphore_mem>>) src(%dma_wait3A_66 : memref<6272x16xf32, #tpu.memory_space<vmem_shared>>) dst(%dma_wait3A_64 : memref<6272x16xf32, #tpu.memory_space<hbm>>)
      tpu.yield
    }) : () -> ()
    return
  }
}

#map = affine_map<(d0, d1) -> (0, 0)>
#map1 = affine_map<(d0, d1) -> (0, 0, 0)>
module attributes {stable_mosaic.version = 14 : i64} {
  func.func @_deg_body(%arg0: i32, %arg1: i32, %arg2: memref<2x3200000xi32, #tpu.memory_space<hbm>>, %arg3: memref<100352x16xf32, #tpu.memory_space<hbm>>, %arg4: memref<800x16xf32, #tpu.memory_space<hbm>>, %arg5: memref<2x100352x16xf32, #tpu.memory_space<hbm>>, %arg6: memref<800xi32, #tpu.memory_space<vmem>>, %arg7: memref<800xi32, #tpu.memory_space<vmem>>, %arg8: memref<800x16xf32, #tpu.memory_space<vmem>>, %arg9: memref<100352x16xf32, #tpu.memory_space<vmem_shared>>, %arg10: memref<!tpu.dma_semaphore, #tpu.memory_space<semaphore_mem>>, %arg11: memref<!tpu.dma_semaphore, #tpu.memory_space<semaphore_mem>>) attributes {dimension_semantics = [#tpu.dimension_semantics<core_parallel>, #tpu.dimension_semantics<subcore_parallel>], iteration_bounds = array<i64: 2, 16>, scalar_prefetch = 0 : i64, scratch_operands = 6 : i64, tpu.core_type = #tpu.core_type<sc_vector_subcore>, window_params = [{transform_indices = #map}, {transform_indices = #map}, {transform_indices = #map}, {transform_indices = #map1}]} {
    %mul3A = arith.constant 6272 : i32
    %mul3A_0 = arith.muli %arg1, %mul3A : i32
    %mul3A_1 = arith.constant 6272 : i32
    %mul3A_2 = arith.muli %arg1, %mul3A_1 : i32
    "tpu.region"() ({
      %run_scoped3A = tpu.sem_alloc : memref<!tpu.dma_semaphore, #tpu.memory_space<semaphore_mem>>
      %dma_start3A_36 = arith.constant 0 : i32
      %dma_start3A_37 = tpu.memref_slice %arg9[%mul3A_2, %dma_start3A_36] : memref<100352x16xf32, #tpu.memory_space<vmem_shared>> -> memref<6272x16xf32, #tpu.memory_space<vmem_shared>>
      %dma_start3A_38 = arith.constant 0 : i32
      %dma_start3A_39 = tpu.memref_slice %arg3[%mul3A_0, %dma_start3A_38] : memref<100352x16xf32, #tpu.memory_space<hbm>> -> memref<6272x16xf32, #tpu.memory_space<hbm>>
      tpu.enqueue_dma source(%dma_start3A_39 : memref<6272x16xf32, #tpu.memory_space<hbm>>) target(%dma_start3A_37 : memref<6272x16xf32, #tpu.memory_space<vmem_shared>>) target_semaphore(%run_scoped3A : memref<!tpu.dma_semaphore, #tpu.memory_space<semaphore_mem>>)
      %dma_wait3A_40 = arith.constant 0 : i32
      %dma_wait3A_41 = tpu.memref_slice %arg9[%mul3A_2, %dma_wait3A_40] : memref<100352x16xf32, #tpu.memory_space<vmem_shared>> -> memref<6272x16xf32, #tpu.memory_space<vmem_shared>>
      %dma_wait3A_42 = arith.constant 0 : i32
      %dma_wait3A_43 = tpu.memref_slice %arg3[%mul3A_0, %dma_wait3A_42] : memref<100352x16xf32, #tpu.memory_space<hbm>> -> memref<6272x16xf32, #tpu.memory_space<hbm>>
      tpu.wait_dma2 semaphore(%run_scoped3A : memref<!tpu.dma_semaphore, #tpu.memory_space<semaphore_mem>>) src(%dma_wait3A_43 : memref<6272x16xf32, #tpu.memory_space<hbm>>) dst(%dma_wait3A_41 : memref<6272x16xf32, #tpu.memory_space<vmem_shared>>)
      tpu.yield
    }) : () -> ()
    "tpu.region"() ({
      %run_scoped3A = tpu.sem_alloc : memref<!tpu.dma_semaphore, #tpu.memory_space<semaphore_mem>>
      tpu.enqueue_dma source(%arg4 : memref<800x16xf32, #tpu.memory_space<hbm>>) target(%arg8 : memref<800x16xf32, #tpu.memory_space<vmem>>) target_semaphore(%run_scoped3A : memref<!tpu.dma_semaphore, #tpu.memory_space<semaphore_mem>>)
      tpu.wait_dma2 semaphore(%run_scoped3A : memref<!tpu.dma_semaphore, #tpu.memory_space<semaphore_mem>>) src(%arg4 : memref<800x16xf32, #tpu.memory_space<hbm>>) dst(%arg8 : memref<800x16xf32, #tpu.memory_space<vmem>>)
      tpu.yield
    }) : () -> ()
    %barrier3A = arith.constant 0 : index
    tpu.barrier barrier_id(%barrier3A)
    %mul3A_3 = arith.constant 16 : i32
    %mul3A_4 = arith.muli %arg0, %mul3A_3 : i32
    %add3A = arith.addi %mul3A_4, %arg1 : i32
    %mul3A_5 = arith.constant 100000 : i32
    %mul3A_6 = arith.muli %add3A, %mul3A_5 : i32
    %add3A_7 = arith.constant 0 : i32
    %add3A_8 = arith.addi %mul3A_6, %add3A_7 : i32
    %dma_start3A = arith.constant 1 : i32
    %dma_start3A_9 = tpu.memref_slice %arg2[%dma_start3A, %add3A_8] : memref<2x3200000xi32, #tpu.memory_space<hbm>> -> memref<1x800xi32, #tpu.memory_space<hbm>>
    %dma_start3A_10 = tpu.memref_squeeze %dma_start3A_9 : memref<1x800xi32, #tpu.memory_space<hbm>> -> memref<800xi32, #tpu.memory_space<hbm>>
    %dma_start3A_11 = tpu.memref_slice %arg2[%dma_start3A, %add3A_8] : memref<2x3200000xi32, #tpu.memory_space<hbm>> -> memref<1x800xi32, #tpu.memory_space<hbm>>
    %dma_start3A_12 = tpu.memref_squeeze %dma_start3A_11 : memref<1x800xi32, #tpu.memory_space<hbm>> -> memref<800xi32, #tpu.memory_space<hbm>>
    tpu.enqueue_dma source(%dma_start3A_12 : memref<800xi32, #tpu.memory_space<hbm>>) target(%arg6 : memref<800xi32, #tpu.memory_space<vmem>>) target_semaphore(%arg10 : memref<!tpu.dma_semaphore, #tpu.memory_space<semaphore_mem>>)
    %add3A_13 = arith.constant 800 : i32
    %add3A_14 = arith.addi %mul3A_6, %add3A_13 : i32
    %dma_start3A_15 = arith.constant 1 : i32
    %dma_start3A_16 = tpu.memref_slice %arg2[%dma_start3A_15, %add3A_14] : memref<2x3200000xi32, #tpu.memory_space<hbm>> -> memref<1x800xi32, #tpu.memory_space<hbm>>
    %dma_start3A_17 = tpu.memref_squeeze %dma_start3A_16 : memref<1x800xi32, #tpu.memory_space<hbm>> -> memref<800xi32, #tpu.memory_space<hbm>>
    %dma_start3A_18 = tpu.memref_slice %arg2[%dma_start3A_15, %add3A_14] : memref<2x3200000xi32, #tpu.memory_space<hbm>> -> memref<1x800xi32, #tpu.memory_space<hbm>>
    %dma_start3A_19 = tpu.memref_squeeze %dma_start3A_18 : memref<1x800xi32, #tpu.memory_space<hbm>> -> memref<800xi32, #tpu.memory_space<hbm>>
    tpu.enqueue_dma source(%dma_start3A_19 : memref<800xi32, #tpu.memory_space<hbm>>) target(%arg7 : memref<800xi32, #tpu.memory_space<vmem>>) target_semaphore(%arg11 : memref<!tpu.dma_semaphore, #tpu.memory_space<semaphore_mem>>)
    %scan3A = arith.constant 0 : i32
    %scan3A_20 = arith.constant 0 : i32
    %scan3A_21 = arith.constant 62 : i32
    %scan3A_22 = arith.addi %scan3A_20, %scan3A_21 : i32
    %scan3A_23 = arith.constant 1 : i32
    scf.for %scan3A_36 = %scan3A_20 to %scan3A_22 step %scan3A_23  : i32 {
      %mul3A_37 = arith.constant 2 : i32
      %mul3A_38 = arith.muli %scan3A_36, %mul3A_37 : i32
      %add3A_39 = arith.constant 0 : i32
      %add3A_40 = arith.addi %mul3A_38, %add3A_39 : i32
      %mul3A_41 = arith.constant 800 : i32
      %mul3A_42 = arith.muli %add3A_40, %mul3A_41 : i32
      %add3A_43 = arith.addi %mul3A_6, %mul3A_42 : i32
      %dma_wait3A_44 = arith.constant 1 : i32
      %dma_wait3A_45 = tpu.memref_slice %arg2[%dma_wait3A_44, %add3A_43] : memref<2x3200000xi32, #tpu.memory_space<hbm>> -> memref<1x800xi32, #tpu.memory_space<hbm>>
      %dma_wait3A_46 = tpu.memref_squeeze %dma_wait3A_45 : memref<1x800xi32, #tpu.memory_space<hbm>> -> memref<800xi32, #tpu.memory_space<hbm>>
      %dma_wait3A_47 = tpu.memref_slice %arg2[%dma_wait3A_44, %add3A_43] : memref<2x3200000xi32, #tpu.memory_space<hbm>> -> memref<1x800xi32, #tpu.memory_space<hbm>>
      %dma_wait3A_48 = tpu.memref_squeeze %dma_wait3A_47 : memref<1x800xi32, #tpu.memory_space<hbm>> -> memref<800xi32, #tpu.memory_space<hbm>>
      tpu.wait_dma2 semaphore(%arg10 : memref<!tpu.dma_semaphore, #tpu.memory_space<semaphore_mem>>) src(%dma_wait3A_48 : memref<800xi32, #tpu.memory_space<hbm>>) dst(%arg6 : memref<800xi32, #tpu.memory_space<vmem>>)
      "tpu.region"() ({
        %run_scoped3A = tpu.sem_alloc : memref<!tpu.dma_semaphore, #tpu.memory_space<semaphore_mem>>
        %dma_start3A_72 = arith.constant 0 : i32
        %dma_start3A_73 = arith.constant 0 : i32
        %dma_start3A_74 = tpu.memref_slice %arg9[%dma_start3A_72, %dma_start3A_73] : memref<100352x16xf32, #tpu.memory_space<vmem_shared>> -> memref<100352x16xf32, #tpu.memory_space<vmem_shared>>
        tpu.enqueue_indirect_dma source(%arg8 : memref<800x16xf32, #tpu.memory_space<vmem>>) target(%dma_start3A_74 : memref<100352x16xf32, #tpu.memory_space<vmem_shared>>) offsets(%arg6 : memref<800xi32, #tpu.memory_space<vmem>>) semaphore(%run_scoped3A : memref<!tpu.dma_semaphore, #tpu.memory_space<semaphore_mem>>) {add = true}
        %dma_wait3A_75 = arith.constant 0 : i32
        %dma_wait3A_76 = arith.constant 0 : i32
        %dma_wait3A_77 = tpu.memref_slice %arg9[%dma_wait3A_75, %dma_wait3A_76] : memref<100352x16xf32, #tpu.memory_space<vmem_shared>> -> memref<100352x16xf32, #tpu.memory_space<vmem_shared>>
        tpu.wait_indirect_dma semaphore(%run_scoped3A : memref<!tpu.dma_semaphore, #tpu.memory_space<semaphore_mem>>) src(%arg8 : memref<800x16xf32, #tpu.memory_space<vmem>>) dst(%dma_wait3A_77 : memref<100352x16xf32, #tpu.memory_space<vmem_shared>>)
        tpu.yield
      }) : () -> ()
      %add3A_49 = arith.constant 2 : i32
      %add3A_50 = arith.addi %add3A_40, %add3A_49 : i32
      %lt3A = arith.constant 125 : i32
      %lt3A_51 = arith.cmpi slt, %add3A_50, %lt3A : i32
      %convert_element_type3A = arith.extui %lt3A_51 : i1 to i32
      %cond3A = arith.constant 0 : i32
      %cond3A_52 = arith.cmpi ne, %convert_element_type3A, %cond3A : i32
      scf.if %cond3A_52 {
        %add3A_72 = arith.constant 2 : i32
        %add3A_73 = arith.addi %add3A_40, %add3A_72 : i32
        %mul3A_74 = arith.constant 800 : i32
        %mul3A_75 = arith.muli %add3A_73, %mul3A_74 : i32
        %add3A_76 = arith.addi %mul3A_6, %mul3A_75 : i32
        %dma_start3A_77 = arith.constant 1 : i32
        %dma_start3A_78 = tpu.memref_slice %arg2[%dma_start3A_77, %add3A_76] : memref<2x3200000xi32, #tpu.memory_space<hbm>> -> memref<1x800xi32, #tpu.memory_space<hbm>>
        %dma_start3A_79 = tpu.memref_squeeze %dma_start3A_78 : memref<1x800xi32, #tpu.memory_space<hbm>> -> memref<800xi32, #tpu.memory_space<hbm>>
        %dma_start3A_80 = tpu.memref_slice %arg2[%dma_start3A_77, %add3A_76] : memref<2x3200000xi32, #tpu.memory_space<hbm>> -> memref<1x800xi32, #tpu.memory_space<hbm>>
        %dma_start3A_81 = tpu.memref_squeeze %dma_start3A_80 : memref<1x800xi32, #tpu.memory_space<hbm>> -> memref<800xi32, #tpu.memory_space<hbm>>
        tpu.enqueue_dma source(%dma_start3A_81 : memref<800xi32, #tpu.memory_space<hbm>>) target(%arg6 : memref<800xi32, #tpu.memory_space<vmem>>) target_semaphore(%arg10 : memref<!tpu.dma_semaphore, #tpu.memory_space<semaphore_mem>>)
      } else {
      }
      %mul3A_53 = arith.constant 2 : i32
      %mul3A_54 = arith.muli %scan3A_36, %mul3A_53 : i32
      %add3A_55 = arith.constant 1 : i32
      %add3A_56 = arith.addi %mul3A_54, %add3A_55 : i32
      %mul3A_57 = arith.constant 800 : i32
      %mul3A_58 = arith.muli %add3A_56, %mul3A_57 : i32
      %add3A_59 = arith.addi %mul3A_6, %mul3A_58 : i32
      %dma_wait3A_60 = arith.constant 1 : i32
      %dma_wait3A_61 = tpu.memref_slice %arg2[%dma_wait3A_60, %add3A_59] : memref<2x3200000xi32, #tpu.memory_space<hbm>> -> memref<1x800xi32, #tpu.memory_space<hbm>>
      %dma_wait3A_62 = tpu.memref_squeeze %dma_wait3A_61 : memref<1x800xi32, #tpu.memory_space<hbm>> -> memref<800xi32, #tpu.memory_space<hbm>>
      %dma_wait3A_63 = tpu.memref_slice %arg2[%dma_wait3A_60, %add3A_59] : memref<2x3200000xi32, #tpu.memory_space<hbm>> -> memref<1x800xi32, #tpu.memory_space<hbm>>
      %dma_wait3A_64 = tpu.memref_squeeze %dma_wait3A_63 : memref<1x800xi32, #tpu.memory_space<hbm>> -> memref<800xi32, #tpu.memory_space<hbm>>
      tpu.wait_dma2 semaphore(%arg11 : memref<!tpu.dma_semaphore, #tpu.memory_space<semaphore_mem>>) src(%dma_wait3A_64 : memref<800xi32, #tpu.memory_space<hbm>>) dst(%arg7 : memref<800xi32, #tpu.memory_space<vmem>>)
      "tpu.region"() ({
        %run_scoped3A = tpu.sem_alloc : memref<!tpu.dma_semaphore, #tpu.memory_space<semaphore_mem>>
        %dma_start3A_72 = arith.constant 0 : i32
        %dma_start3A_73 = arith.constant 0 : i32
        %dma_start3A_74 = tpu.memref_slice %arg9[%dma_start3A_72, %dma_start3A_73] : memref<100352x16xf32, #tpu.memory_space<vmem_shared>> -> memref<100352x16xf32, #tpu.memory_space<vmem_shared>>
        tpu.enqueue_indirect_dma source(%arg8 : memref<800x16xf32, #tpu.memory_space<vmem>>) target(%dma_start3A_74 : memref<100352x16xf32, #tpu.memory_space<vmem_shared>>) offsets(%arg7 : memref<800xi32, #tpu.memory_space<vmem>>) semaphore(%run_scoped3A : memref<!tpu.dma_semaphore, #tpu.memory_space<semaphore_mem>>) {add = true}
        %dma_wait3A_75 = arith.constant 0 : i32
        %dma_wait3A_76 = arith.constant 0 : i32
        %dma_wait3A_77 = tpu.memref_slice %arg9[%dma_wait3A_75, %dma_wait3A_76] : memref<100352x16xf32, #tpu.memory_space<vmem_shared>> -> memref<100352x16xf32, #tpu.memory_space<vmem_shared>>
        tpu.wait_indirect_dma semaphore(%run_scoped3A : memref<!tpu.dma_semaphore, #tpu.memory_space<semaphore_mem>>) src(%arg8 : memref<800x16xf32, #tpu.memory_space<vmem>>) dst(%dma_wait3A_77 : memref<100352x16xf32, #tpu.memory_space<vmem_shared>>)
        tpu.yield
      }) : () -> ()
      %add3A_65 = arith.constant 2 : i32
      %add3A_66 = arith.addi %add3A_56, %add3A_65 : i32
      %lt3A_67 = arith.constant 125 : i32
      %lt3A_68 = arith.cmpi slt, %add3A_66, %lt3A_67 : i32
      %convert_element_type3A_69 = arith.extui %lt3A_68 : i1 to i32
      %cond3A_70 = arith.constant 0 : i32
      %cond3A_71 = arith.cmpi ne, %convert_element_type3A_69, %cond3A_70 : i32
      scf.if %cond3A_71 {
        %add3A_72 = arith.constant 2 : i32
        %add3A_73 = arith.addi %add3A_56, %add3A_72 : i32
        %mul3A_74 = arith.constant 800 : i32
        %mul3A_75 = arith.muli %add3A_73, %mul3A_74 : i32
        %add3A_76 = arith.addi %mul3A_6, %mul3A_75 : i32
        %dma_start3A_77 = arith.constant 1 : i32
        %dma_start3A_78 = tpu.memref_slice %arg2[%dma_start3A_77, %add3A_76] : memref<2x3200000xi32, #tpu.memory_space<hbm>> -> memref<1x800xi32, #tpu.memory_space<hbm>>
        %dma_start3A_79 = tpu.memref_squeeze %dma_start3A_78 : memref<1x800xi32, #tpu.memory_space<hbm>> -> memref<800xi32, #tpu.memory_space<hbm>>
        %dma_start3A_80 = tpu.memref_slice %arg2[%dma_start3A_77, %add3A_76] : memref<2x3200000xi32, #tpu.memory_space<hbm>> -> memref<1x800xi32, #tpu.memory_space<hbm>>
        %dma_start3A_81 = tpu.memref_squeeze %dma_start3A_80 : memref<1x800xi32, #tpu.memory_space<hbm>> -> memref<800xi32, #tpu.memory_space<hbm>>
        tpu.enqueue_dma source(%dma_start3A_81 : memref<800xi32, #tpu.memory_space<hbm>>) target(%arg7 : memref<800xi32, #tpu.memory_space<vmem>>) target_semaphore(%arg11 : memref<!tpu.dma_semaphore, #tpu.memory_space<semaphore_mem>>)
      } else {
      }
    }
    %scan3A_24 = arith.constant 62 : i32
    %add3A_25 = arith.constant 99200 : i32
    %add3A_26 = arith.addi %mul3A_6, %add3A_25 : i32
    %dma_wait3A = arith.constant 1 : i32
    %dma_wait3A_27 = tpu.memref_slice %arg2[%dma_wait3A, %add3A_26] : memref<2x3200000xi32, #tpu.memory_space<hbm>> -> memref<1x800xi32, #tpu.memory_space<hbm>>
    %dma_wait3A_28 = tpu.memref_squeeze %dma_wait3A_27 : memref<1x800xi32, #tpu.memory_space<hbm>> -> memref<800xi32, #tpu.memory_space<hbm>>
    %dma_wait3A_29 = tpu.memref_slice %arg2[%dma_wait3A, %add3A_26] : memref<2x3200000xi32, #tpu.memory_space<hbm>> -> memref<1x800xi32, #tpu.memory_space<hbm>>
    %dma_wait3A_30 = tpu.memref_squeeze %dma_wait3A_29 : memref<1x800xi32, #tpu.memory_space<hbm>> -> memref<800xi32, #tpu.memory_space<hbm>>
    tpu.wait_dma2 semaphore(%arg10 : memref<!tpu.dma_semaphore, #tpu.memory_space<semaphore_mem>>) src(%dma_wait3A_30 : memref<800xi32, #tpu.memory_space<hbm>>) dst(%arg6 : memref<800xi32, #tpu.memory_space<vmem>>)
    "tpu.region"() ({
      %run_scoped3A = tpu.sem_alloc : memref<!tpu.dma_semaphore, #tpu.memory_space<semaphore_mem>>
      %dma_start3A_36 = arith.constant 0 : i32
      %dma_start3A_37 = arith.constant 0 : i32
      %dma_start3A_38 = tpu.memref_slice %arg9[%dma_start3A_36, %dma_start3A_37] : memref<100352x16xf32, #tpu.memory_space<vmem_shared>> -> memref<100352x16xf32, #tpu.memory_space<vmem_shared>>
      tpu.enqueue_indirect_dma source(%arg8 : memref<800x16xf32, #tpu.memory_space<vmem>>) target(%dma_start3A_38 : memref<100352x16xf32, #tpu.memory_space<vmem_shared>>) offsets(%arg6 : memref<800xi32, #tpu.memory_space<vmem>>) semaphore(%run_scoped3A : memref<!tpu.dma_semaphore, #tpu.memory_space<semaphore_mem>>) {add = true}
      %dma_wait3A_39 = arith.constant 0 : i32
      %dma_wait3A_40 = arith.constant 0 : i32
      %dma_wait3A_41 = tpu.memref_slice %arg9[%dma_wait3A_39, %dma_wait3A_40] : memref<100352x16xf32, #tpu.memory_space<vmem_shared>> -> memref<100352x16xf32, #tpu.memory_space<vmem_shared>>
      tpu.wait_indirect_dma semaphore(%run_scoped3A : memref<!tpu.dma_semaphore, #tpu.memory_space<semaphore_mem>>) src(%arg8 : memref<800x16xf32, #tpu.memory_space<vmem>>) dst(%dma_wait3A_41 : memref<100352x16xf32, #tpu.memory_space<vmem_shared>>)
      tpu.yield
    }) : () -> ()
    %barrier3A_31 = arith.constant 0 : index
    tpu.barrier barrier_id(%barrier3A_31)
    %mul3A_32 = arith.constant 6272 : i32
    %mul3A_33 = arith.muli %arg1, %mul3A_32 : i32
    %mul3A_34 = arith.constant 6272 : i32
    %mul3A_35 = arith.muli %arg1, %mul3A_34 : i32
    "tpu.region"() ({
      %run_scoped3A = tpu.sem_alloc : memref<!tpu.dma_semaphore, #tpu.memory_space<semaphore_mem>>
      %dma_start3A_36 = arith.constant 0 : i32
      %dma_start3A_37 = tpu.memref_slice %arg5[%arg0, %mul3A_35, %dma_start3A_36] : memref<2x100352x16xf32, #tpu.memory_space<hbm>> -> memref<1x6272x16xf32, #tpu.memory_space<hbm>>
      %dma_start3A_38 = tpu.memref_squeeze %dma_start3A_37 : memref<1x6272x16xf32, #tpu.memory_space<hbm>> -> memref<6272x16xf32, #tpu.memory_space<hbm>>
      %dma_start3A_39 = arith.constant 0 : i32
      %dma_start3A_40 = tpu.memref_slice %arg9[%mul3A_33, %dma_start3A_39] : memref<100352x16xf32, #tpu.memory_space<vmem_shared>> -> memref<6272x16xf32, #tpu.memory_space<vmem_shared>>
      tpu.enqueue_dma source(%dma_start3A_40 : memref<6272x16xf32, #tpu.memory_space<vmem_shared>>) target(%dma_start3A_38 : memref<6272x16xf32, #tpu.memory_space<hbm>>) target_semaphore(%run_scoped3A : memref<!tpu.dma_semaphore, #tpu.memory_space<semaphore_mem>>)
      %dma_wait3A_41 = arith.constant 0 : i32
      %dma_wait3A_42 = tpu.memref_slice %arg5[%arg0, %mul3A_35, %dma_wait3A_41] : memref<2x100352x16xf32, #tpu.memory_space<hbm>> -> memref<1x6272x16xf32, #tpu.memory_space<hbm>>
      %dma_wait3A_43 = tpu.memref_squeeze %dma_wait3A_42 : memref<1x6272x16xf32, #tpu.memory_space<hbm>> -> memref<6272x16xf32, #tpu.memory_space<hbm>>
      %dma_wait3A_44 = arith.constant 0 : i32
      %dma_wait3A_45 = tpu.memref_slice %arg9[%mul3A_33, %dma_wait3A_44] : memref<100352x16xf32, #tpu.memory_space<vmem_shared>> -> memref<6272x16xf32, #tpu.memory_space<vmem_shared>>
      tpu.wait_dma2 semaphore(%run_scoped3A : memref<!tpu.dma_semaphore, #tpu.memory_space<semaphore_mem>>) src(%dma_wait3A_45 : memref<6272x16xf32, #tpu.memory_space<vmem_shared>>) dst(%dma_wait3A_43 : memref<6272x16xf32, #tpu.memory_space<hbm>>)
      tpu.yield
    }) : () -> ()
    return
  }
}

module attributes {stable_mosaic.version = 14 : i64} {
  func.func @_mlp_body(%arg0: i32, %arg1: memref<2048x128xf32, #tpu.memory_space<vmem>>, %arg2: memref<128x256xf32, #tpu.memory_space<vmem>>, %arg3: memref<1x256xf32, #tpu.memory_space<vmem>>, %arg4: memref<256x16xf32, #tpu.memory_space<vmem>>, %arg5: memref<1x16xf32, #tpu.memory_space<vmem>>, %arg6: memref<16x16xf32, #tpu.memory_space<vmem>>, %arg7: memref<2048x16xf32, #tpu.memory_space<vmem>>) attributes {dimension_semantics = [#tpu.dimension_semantics<arbitrary>], iteration_bounds = array<i64: 49>, scalar_prefetch = 0 : i64, scratch_operands = 0 : i64, tpu.core_type = #tpu.core_type<tc>, window_params = [{transform_indices = @transform_0, window_bounds = array<i64: 2048, 128>}, {pipeline_mode = #tpu.pipeline_mode<synchronous>, transform_indices = @transform_1, window_bounds = array<i64: 128, 256>}, {pipeline_mode = #tpu.pipeline_mode<synchronous>, transform_indices = @transform_2, window_bounds = array<i64: 1, 256>}, {pipeline_mode = #tpu.pipeline_mode<synchronous>, transform_indices = @transform_3, window_bounds = array<i64: 256, 16>}, {pipeline_mode = #tpu.pipeline_mode<synchronous>, transform_indices = @transform_4, window_bounds = array<i64: 1, 16>}, {pipeline_mode = #tpu.pipeline_mode<synchronous>, transform_indices = @transform_5, window_bounds = array<i64: 16, 16>}, {transform_indices = @transform_6, window_bounds = array<i64: 2048, 16>}]} {
    %get3A = arith.constant 0 : index
    %get3A_0 = arith.constant 0 : index
    %get3A_1 = vector.load %arg1[%get3A, %get3A_0] : memref<2048x128xf32, #tpu.memory_space<vmem>>, vector<2048x128xf32>
    %get3A_2 = arith.constant 0 : index
    %get3A_3 = arith.constant 0 : index
    %get3A_4 = vector.load %arg2[%get3A_2, %get3A_3] : memref<128x256xf32, #tpu.memory_space<vmem>>, vector<128x256xf32>
    %dot_general3A = arith.constant dense<0.000000e+00> : vector<2048x256xf32>
    %dot_general3A_5 = tpu.matmul %get3A_1, %get3A_4, %dot_general3A {dimension_numbers = #tpu.dot_dimension_numbers<[1], [0], [0], [1], [0, 0, 1, 1], [], []>, transpose_lhs_hint = false} : vector<2048x128xf32>, vector<128x256xf32>, vector<2048x256xf32> -> vector<2048x256xf32>
    %get3A_6 = arith.constant 0 : index
    %get3A_7 = arith.constant 0 : index
    %get3A_8 = vector.load %arg3[%get3A_6, %get3A_7] : memref<1x256xf32, #tpu.memory_space<vmem>>, vector<1x256xf32>
    %add3A = vector.broadcast %get3A_8 : vector<1x256xf32> to vector<2048x256xf32>
    %add3A_9 = arith.addf %dot_general3A_5, %add3A : vector<2048x256xf32>
    %jit3A = arith.constant 0.00999999977 : f32
    %ge3A = arith.constant 0.000000e+00 : f32
    %ge3A_10 = vector.broadcast %ge3A : f32 to vector<2048x256xf32>
    %ge3A_11 = arith.cmpf oge, %add3A_9, %ge3A_10 : vector<2048x256xf32>
    %mul3A = vector.broadcast %jit3A : f32 to vector<2048x256xf32>
    %mul3A_12 = arith.mulf %mul3A, %add3A_9 : vector<2048x256xf32>
    %select_n3A = arith.select %ge3A_11, %add3A_9, %mul3A_12 : vector<2048x256xi1>, vector<2048x256xf32>
    %get3A_13 = arith.constant 0 : index
    %get3A_14 = arith.constant 0 : index
    %get3A_15 = vector.load %arg4[%get3A_13, %get3A_14] : memref<256x16xf32, #tpu.memory_space<vmem>>, vector<256x16xf32>
    %dot_general3A_16 = arith.constant dense<0.000000e+00> : vector<2048x16xf32>
    %dot_general3A_17 = tpu.matmul %select_n3A, %get3A_15, %dot_general3A_16 {dimension_numbers = #tpu.dot_dimension_numbers<[1], [0], [0], [1], [0, 0, 1, 1], [], []>, transpose_lhs_hint = false} : vector<2048x256xf32>, vector<256x16xf32>, vector<2048x16xf32> -> vector<2048x16xf32>
    %get3A_18 = arith.constant 0 : index
    %get3A_19 = arith.constant 0 : index
    %get3A_20 = vector.load %arg5[%get3A_18, %get3A_19] : memref<1x16xf32, #tpu.memory_space<vmem>>, vector<1x16xf32>
    %add3A_21 = vector.broadcast %get3A_20 : vector<1x16xf32> to vector<2048x16xf32>
    %add3A_22 = arith.addf %dot_general3A_17, %add3A_21 : vector<2048x16xf32>
    %jit3A_23 = arith.constant 0.00999999977 : f32
    %ge3A_24 = arith.constant 0.000000e+00 : f32
    %ge3A_25 = vector.broadcast %ge3A_24 : f32 to vector<2048x16xf32>
    %ge3A_26 = arith.cmpf oge, %add3A_22, %ge3A_25 : vector<2048x16xf32>
    %mul3A_27 = vector.broadcast %jit3A_23 : f32 to vector<2048x16xf32>
    %mul3A_28 = arith.mulf %mul3A_27, %add3A_22 : vector<2048x16xf32>
    %select_n3A_29 = arith.select %ge3A_26, %add3A_22, %mul3A_28 : vector<2048x16xi1>, vector<2048x16xf32>
    %get3A_30 = arith.constant 0 : index
    %get3A_31 = arith.constant 0 : index
    %get3A_32 = vector.load %arg6[%get3A_30, %get3A_31] : memref<16x16xf32, #tpu.memory_space<vmem>>, vector<16x16xf32>
    %dot_general3A_33 = arith.constant dense<0.000000e+00> : vector<2048x16xf32>
    %dot_general3A_34 = tpu.matmul %select_n3A_29, %get3A_32, %dot_general3A_33 {dimension_numbers = #tpu.dot_dimension_numbers<[1], [0], [0], [1], [0, 0, 1, 1], [], []>, transpose_lhs_hint = false} : vector<2048x16xf32>, vector<16x16xf32>, vector<2048x16xf32> -> vector<2048x16xf32>
    %swap3A = arith.constant 0 : index
    %swap3A_35 = arith.constant 0 : index
    %swap3A_36 = vector.load %arg7[%swap3A, %swap3A_35] : memref<2048x16xf32, #tpu.memory_space<vmem>>, vector<2048x16xf32>
    tpu.vector_store %arg7[%swap3A, %swap3A_35], %dot_general3A_34 {strides = array<i32>} : memref<2048x16xf32, #tpu.memory_space<vmem>>, vector<2048x16xf32>,
    return
  }
  func.func @transform_0(%arg0: i32) -> (i32, i32) {
    %c0_i32 = arith.constant 0 : i32
    %c0_i32_0 = arith.constant 0 : i32
    return %arg0, %c0_i32 : i32, i32
  }
  func.func @transform_1(%arg0: i32) -> (i32, i32) {
    %c0_i32 = arith.constant 0 : i32
    %c0_i32_0 = arith.constant 0 : i32
    %c0_i32_1 = arith.constant 0 : i32
    return %c0_i32, %c0_i32_0 : i32, i32
  }
  func.func @transform_2(%arg0: i32) -> (i32, i32) {
    %c0_i32 = arith.constant 0 : i32
    %c0_i32_0 = arith.constant 0 : i32
    %c0_i32_1 = arith.constant 0 : i32
    return %c0_i32, %c0_i32_0 : i32, i32
  }
  func.func @transform_3(%arg0: i32) -> (i32, i32) {
    %c0_i32 = arith.constant 0 : i32
    %c0_i32_0 = arith.constant 0 : i32
    %c0_i32_1 = arith.constant 0 : i32
    return %c0_i32, %c0_i32_0 : i32, i32
  }
  func.func @transform_4(%arg0: i32) -> (i32, i32) {
    %c0_i32 = arith.constant 0 : i32
    %c0_i32_0 = arith.constant 0 : i32
    %c0_i32_1 = arith.constant 0 : i32
    return %c0_i32, %c0_i32_0 : i32, i32
  }
  func.func @transform_5(%arg0: i32) -> (i32, i32) {
    %c0_i32 = arith.constant 0 : i32
    %c0_i32_0 = arith.constant 0 : i32
    %c0_i32_1 = arith.constant 0 : i32
    return %c0_i32, %c0_i32_0 : i32, i32
  }
  func.func @transform_6(%arg0: i32) -> (i32, i32) {
    %c0_i32 = arith.constant 0 : i32
    %c0_i32_0 = arith.constant 0 : i32
    return %arg0, %c0_i32 : i32, i32
  }
}

module attributes {stable_mosaic.version = 14 : i64} {
  func.func @_prep_body(%arg0: i32, %arg1: memref<2x3136x128xf32, #tpu.memory_space<vmem>>, %arg2: memref<3136x128xf32, #tpu.memory_space<vmem>>, %arg3: memref<3136x128xf32, #tpu.memory_space<vmem>>, %arg4: memref<3136x128xf32, #tpu.memory_space<vmem>>) attributes {dimension_semantics = [#tpu.dimension_semantics<arbitrary>], iteration_bounds = array<i64: 4>, scalar_prefetch = 0 : i64, scratch_operands = 0 : i64, tpu.core_type = #tpu.core_type<tc>, window_params = [{transform_indices = @transform_0, window_bounds = array<i64: 2, 3136, 128>}, {transform_indices = @transform_1, window_bounds = array<i64: 3136, 128>}, {transform_indices = @transform_2, window_bounds = array<i64: 3136, 128>}, {transform_indices = @transform_3, window_bounds = array<i64: 3136, 128>}]} {
    %get3A = arith.constant 0 : index
    %get3A_0 = arith.constant 0 : index
    %get3A_1 = arith.constant 0 : index
    %get3A_2 = vector.load %arg1[%get3A, %get3A_0, %get3A_1] : memref<2x3136x128xf32, #tpu.memory_space<vmem>>, vector<1x3136x128xf32>
    %get3A_3 = vector.shape_cast %get3A_2 : vector<1x3136x128xf32> to vector<3136x128xf32>
    %get3A_4 = arith.constant 1 : index
    %get3A_5 = arith.constant 0 : index
    %get3A_6 = arith.constant 0 : index
    %get3A_7 = vector.load %arg1[%get3A_4, %get3A_5, %get3A_6] : memref<2x3136x128xf32, #tpu.memory_space<vmem>>, vector<1x3136x128xf32>
    %get3A_8 = vector.shape_cast %get3A_7 : vector<1x3136x128xf32> to vector<3136x128xf32>
    %add3A = arith.addf %get3A_3, %get3A_8 : vector<3136x128xf32>
    %add3A_9 = arith.constant 1.000000e+00 : f32
    %add3A_10 = vector.broadcast %add3A_9 : f32 to vector<3136x128xf32>
    %add3A_11 = arith.addf %add3A, %add3A_10 : vector<3136x128xf32>
    %rsqrt3A = math.rsqrt %add3A_11 : vector<3136x128xf32>
    %swap3A = arith.constant 0 : index
    %swap3A_12 = arith.constant 0 : index
    %swap3A_13 = vector.load %arg3[%swap3A, %swap3A_12] : memref<3136x128xf32, #tpu.memory_space<vmem>>, vector<3136x128xf32>
    tpu.vector_store %arg3[%swap3A, %swap3A_12], %rsqrt3A {strides = array<i32>} : memref<3136x128xf32, #tpu.memory_space<vmem>>, vector<3136x128xf32>,
    %get3A_14 = arith.constant 0 : index
    %get3A_15 = arith.constant 0 : index
    %get3A_16 = vector.load %arg2[%get3A_14, %get3A_15] : memref<3136x128xf32, #tpu.memory_space<vmem>>, vector<3136x128xf32>
    %mul3A = arith.mulf %get3A_16, %rsqrt3A : vector<3136x128xf32>
    %swap3A_17 = arith.constant 0 : index
    %swap3A_18 = arith.constant 0 : index
    %swap3A_19 = vector.load %arg4[%swap3A_17, %swap3A_18] : memref<3136x128xf32, #tpu.memory_space<vmem>>, vector<3136x128xf32>
    tpu.vector_store %arg4[%swap3A_17, %swap3A_18], %mul3A {strides = array<i32>} : memref<3136x128xf32, #tpu.memory_space<vmem>>, vector<3136x128xf32>,
    return
  }
  func.func @transform_0(%arg0: i32) -> (i32, i32, i32) {
    %c0_i32 = arith.constant 0 : i32
    %c0_i32_0 = arith.constant 0 : i32
    %c0_i32_1 = arith.constant 0 : i32
    return %c0_i32, %arg0, %c0_i32_0 : i32, i32, i32
  }
  func.func @transform_1(%arg0: i32) -> (i32, i32) {
    %c0_i32 = arith.constant 0 : i32
    %c0_i32_0 = arith.constant 0 : i32
    return %arg0, %c0_i32 : i32, i32
  }
  func.func @transform_2(%arg0: i32) -> (i32, i32) {
    %c0_i32 = arith.constant 0 : i32
    %c0_i32_0 = arith.constant 0 : i32
    return %arg0, %c0_i32 : i32, i32
  }
  func.func @transform_3(%arg0: i32) -> (i32, i32) {
    %c0_i32 = arith.constant 0 : i32
    %c0_i32_0 = arith.constant 0 : i32
    return %arg0, %c0_i32 : i32, i32
  }
}

module attributes {stable_mosaic.version = 14 : i64} {
  func.func @_epi_body(%arg0: i32, %arg1: memref<2x3136x128xf32, #tpu.memory_space<vmem>>, %arg2: memref<3136x128xf32, #tpu.memory_space<vmem>>, %arg3: memref<3136x128xf32, #tpu.memory_space<vmem>>, %arg4: memref<1x128xf32, #tpu.memory_space<vmem>>, %arg5: memref<16x16xf32, #tpu.memory_space<vmem>>, %arg6: memref<3136x128xf32, #tpu.memory_space<vmem>>) attributes {dimension_semantics = [#tpu.dimension_semantics<arbitrary>], iteration_bounds = array<i64: 4>, scalar_prefetch = 0 : i64, scratch_operands = 0 : i64, tpu.core_type = #tpu.core_type<tc>, window_params = [{transform_indices = @transform_0, window_bounds = array<i64: 2, 3136, 128>}, {transform_indices = @transform_1, window_bounds = array<i64: 3136, 128>}, {transform_indices = @transform_2, window_bounds = array<i64: 3136, 128>}, {pipeline_mode = #tpu.pipeline_mode<synchronous>, transform_indices = @transform_3, window_bounds = array<i64: 1, 128>}, {pipeline_mode = #tpu.pipeline_mode<synchronous>, transform_indices = @transform_4, window_bounds = array<i64: 16, 16>}, {transform_indices = @transform_5, window_bounds = array<i64: 3136, 128>}]} {
    %get3A = arith.constant 0 : index
    %get3A_0 = arith.constant 0 : index
    %get3A_1 = arith.constant 0 : index
    %get3A_2 = vector.load %arg1[%get3A, %get3A_0, %get3A_1] : memref<2x3136x128xf32, #tpu.memory_space<vmem>>, vector<1x3136x128xf32>
    %get3A_3 = vector.shape_cast %get3A_2 : vector<1x3136x128xf32> to vector<3136x128xf32>
    %get3A_4 = arith.constant 1 : index
    %get3A_5 = arith.constant 0 : index
    %get3A_6 = arith.constant 0 : index
    %get3A_7 = vector.load %arg1[%get3A_4, %get3A_5, %get3A_6] : memref<2x3136x128xf32, #tpu.memory_space<vmem>>, vector<1x3136x128xf32>
    %get3A_8 = vector.shape_cast %get3A_7 : vector<1x3136x128xf32> to vector<3136x128xf32>
    %add3A = arith.addf %get3A_3, %get3A_8 : vector<3136x128xf32>
    %get3A_9 = arith.constant 0 : index
    %get3A_10 = arith.constant 0 : index
    %get3A_11 = vector.load %arg2[%get3A_9, %get3A_10] : memref<3136x128xf32, #tpu.memory_space<vmem>>, vector<3136x128xf32>
    %add3A_12 = arith.addf %add3A, %get3A_11 : vector<3136x128xf32>
    %get3A_13 = arith.constant 0 : index
    %get3A_14 = arith.constant 0 : index
    %get3A_15 = vector.load %arg3[%get3A_13, %get3A_14] : memref<3136x128xf32, #tpu.memory_space<vmem>>, vector<3136x128xf32>
    %mul3A = arith.mulf %get3A_15, %add3A_12 : vector<3136x128xf32>
    %get3A_16 = arith.constant 0 : index
    %get3A_17 = arith.constant 0 : index
    %get3A_18 = vector.load %arg4[%get3A_16, %get3A_17] : memref<1x128xf32, #tpu.memory_space<vmem>>, vector<1x128xf32>
    %add3A_19 = vector.broadcast %get3A_18 : vector<1x128xf32> to vector<3136x128xf32>
    %add3A_20 = arith.addf %mul3A, %add3A_19 : vector<3136x128xf32>
    %jit3A = arith.constant 0.00999999977 : f32
    %ge3A = arith.constant 0.000000e+00 : f32
    %ge3A_21 = vector.broadcast %ge3A : f32 to vector<3136x128xf32>
    %ge3A_22 = arith.cmpf oge, %add3A_20, %ge3A_21 : vector<3136x128xf32>
    %mul3A_23 = vector.broadcast %jit3A : f32 to vector<3136x128xf32>
    %mul3A_24 = arith.mulf %mul3A_23, %add3A_20 : vector<3136x128xf32>
    %select_n3A = arith.select %ge3A_22, %add3A_20, %mul3A_24 : vector<3136x128xi1>, vector<3136x128xf32>
    %slice3A = vector.extract_strided_slice %select_n3A {offsets = [0, 0], sizes = [3136, 16], strides = [1, 1]} : vector<3136x128xf32> to vector<3136x16xf32>
    %get3A_25 = arith.constant 0 : index
    %get3A_26 = arith.constant 0 : index
    %get3A_27 = vector.load %arg5[%get3A_25, %get3A_26] : memref<16x16xf32, #tpu.memory_space<vmem>>, vector<16x16xf32>
    %dot_general3A = arith.constant dense<0.000000e+00> : vector<3136x16xf32>
    %dot_general3A_28 = tpu.matmul %slice3A, %get3A_27, %dot_general3A {dimension_numbers = #tpu.dot_dimension_numbers<[1], [0], [0], [1], [0, 0, 1, 1], [], []>, transpose_lhs_hint = false} : vector<3136x16xf32>, vector<16x16xf32>, vector<3136x16xf32> -> vector<3136x16xf32>
    %slice3A_29 = vector.extract_strided_slice %select_n3A {offsets = [0, 16], sizes = [3136, 16], strides = [1, 1]} : vector<3136x128xf32> to vector<3136x16xf32>
    %get3A_30 = arith.constant 0 : index
    %get3A_31 = arith.constant 0 : index
    %get3A_32 = vector.load %arg5[%get3A_30, %get3A_31] : memref<16x16xf32, #tpu.memory_space<vmem>>, vector<16x16xf32>
    %dot_general3A_33 = arith.constant dense<0.000000e+00> : vector<3136x16xf32>
    %dot_general3A_34 = tpu.matmul %slice3A_29, %get3A_32, %dot_general3A_33 {dimension_numbers = #tpu.dot_dimension_numbers<[1], [0], [0], [1], [0, 0, 1, 1], [], []>, transpose_lhs_hint = false} : vector<3136x16xf32>, vector<16x16xf32>, vector<3136x16xf32> -> vector<3136x16xf32>
    %slice3A_35 = vector.extract_strided_slice %select_n3A {offsets = [0, 32], sizes = [3136, 16], strides = [1, 1]} : vector<3136x128xf32> to vector<3136x16xf32>
    %get3A_36 = arith.constant 0 : index
    %get3A_37 = arith.constant 0 : index
    %get3A_38 = vector.load %arg5[%get3A_36, %get3A_37] : memref<16x16xf32, #tpu.memory_space<vmem>>, vector<16x16xf32>
    %dot_general3A_39 = arith.constant dense<0.000000e+00> : vector<3136x16xf32>
    %dot_general3A_40 = tpu.matmul %slice3A_35, %get3A_38, %dot_general3A_39 {dimension_numbers = #tpu.dot_dimension_numbers<[1], [0], [0], [1], [0, 0, 1, 1], [], []>, transpose_lhs_hint = false} : vector<3136x16xf32>, vector<16x16xf32>, vector<3136x16xf32> -> vector<3136x16xf32>
    %slice3A_41 = vector.extract_strided_slice %select_n3A {offsets = [0, 48], sizes = [3136, 16], strides = [1, 1]} : vector<3136x128xf32> to vector<3136x16xf32>
    %get3A_42 = arith.constant 0 : index
    %get3A_43 = arith.constant 0 : index
    %get3A_44 = vector.load %arg5[%get3A_42, %get3A_43] : memref<16x16xf32, #tpu.memory_space<vmem>>, vector<16x16xf32>
    %dot_general3A_45 = arith.constant dense<0.000000e+00> : vector<3136x16xf32>
    %dot_general3A_46 = tpu.matmul %slice3A_41, %get3A_44, %dot_general3A_45 {dimension_numbers = #tpu.dot_dimension_numbers<[1], [0], [0], [1], [0, 0, 1, 1], [], []>, transpose_lhs_hint = false} : vector<3136x16xf32>, vector<16x16xf32>, vector<3136x16xf32> -> vector<3136x16xf32>
    %slice3A_47 = vector.extract_strided_slice %select_n3A {offsets = [0, 64], sizes = [3136, 16], strides = [1, 1]} : vector<3136x128xf32> to vector<3136x16xf32>
    %get3A_48 = arith.constant 0 : index
    %get3A_49 = arith.constant 0 : index
    %get3A_50 = vector.load %arg5[%get3A_48, %get3A_49] : memref<16x16xf32, #tpu.memory_space<vmem>>, vector<16x16xf32>
    %dot_general3A_51 = arith.constant dense<0.000000e+00> : vector<3136x16xf32>
    %dot_general3A_52 = tpu.matmul %slice3A_47, %get3A_50, %dot_general3A_51 {dimension_numbers = #tpu.dot_dimension_numbers<[1], [0], [0], [1], [0, 0, 1, 1], [], []>, transpose_lhs_hint = false} : vector<3136x16xf32>, vector<16x16xf32>, vector<3136x16xf32> -> vector<3136x16xf32>
    %slice3A_53 = vector.extract_strided_slice %select_n3A {offsets = [0, 80], sizes = [3136, 16], strides = [1, 1]} : vector<3136x128xf32> to vector<3136x16xf32>
    %get3A_54 = arith.constant 0 : index
    %get3A_55 = arith.constant 0 : index
    %get3A_56 = vector.load %arg5[%get3A_54, %get3A_55] : memref<16x16xf32, #tpu.memory_space<vmem>>, vector<16x16xf32>
    %dot_general3A_57 = arith.constant dense<0.000000e+00> : vector<3136x16xf32>
    %dot_general3A_58 = tpu.matmul %slice3A_53, %get3A_56, %dot_general3A_57 {dimension_numbers = #tpu.dot_dimension_numbers<[1], [0], [0], [1], [0, 0, 1, 1], [], []>, transpose_lhs_hint = false} : vector<3136x16xf32>, vector<16x16xf32>, vector<3136x16xf32> -> vector<3136x16xf32>
    %slice3A_59 = vector.extract_strided_slice %select_n3A {offsets = [0, 96], sizes = [3136, 16], strides = [1, 1]} : vector<3136x128xf32> to vector<3136x16xf32>
    %get3A_60 = arith.constant 0 : index
    %get3A_61 = arith.constant 0 : index
    %get3A_62 = vector.load %arg5[%get3A_60, %get3A_61] : memref<16x16xf32, #tpu.memory_space<vmem>>, vector<16x16xf32>
    %dot_general3A_63 = arith.constant dense<0.000000e+00> : vector<3136x16xf32>
    %dot_general3A_64 = tpu.matmul %slice3A_59, %get3A_62, %dot_general3A_63 {dimension_numbers = #tpu.dot_dimension_numbers<[1], [0], [0], [1], [0, 0, 1, 1], [], []>, transpose_lhs_hint = false} : vector<3136x16xf32>, vector<16x16xf32>, vector<3136x16xf32> -> vector<3136x16xf32>
    %slice3A_65 = vector.extract_strided_slice %select_n3A {offsets = [0, 112], sizes = [3136, 16], strides = [1, 1]} : vector<3136x128xf32> to vector<3136x16xf32>
    %get3A_66 = arith.constant 0 : index
    %get3A_67 = arith.constant 0 : index
    %get3A_68 = vector.load %arg5[%get3A_66, %get3A_67] : memref<16x16xf32, #tpu.memory_space<vmem>>, vector<16x16xf32>
    %dot_general3A_69 = arith.constant dense<0.000000e+00> : vector<3136x16xf32>
    %dot_general3A_70 = tpu.matmul %slice3A_65, %get3A_68, %dot_general3A_69 {dimension_numbers = #tpu.dot_dimension_numbers<[1], [0], [0], [1], [0, 0, 1, 1], [], []>, transpose_lhs_hint = false} : vector<3136x16xf32>, vector<16x16xf32>, vector<3136x16xf32> -> vector<3136x16xf32>
    %concatenate3A = tpu.concatenate %dot_general3A_28, %dot_general3A_34, %dot_general3A_40, %dot_general3A_46, %dot_general3A_52, %dot_general3A_58, %dot_general3A_64, %dot_general3A_70 in 1 : vector<3136x16xf32>, vector<3136x16xf32>, vector<3136x16xf32>, vector<3136x16xf32>, vector<3136x16xf32>, vector<3136x16xf32>, vector<3136x16xf32>, vector<3136x16xf32> -> vector<3136x128xf32>
    %get3A_71 = arith.constant 0 : index
    %get3A_72 = arith.constant 0 : index
    %get3A_73 = vector.load %arg3[%get3A_71, %get3A_72] : memref<3136x128xf32, #tpu.memory_space<vmem>>, vector<3136x128xf32>
    %mul3A_74 = arith.mulf %concatenate3A, %get3A_73 : vector<3136x128xf32>
    %swap3A = arith.constant 0 : index
    %swap3A_75 = arith.constant 0 : index
    %swap3A_76 = vector.load %arg6[%swap3A, %swap3A_75] : memref<3136x128xf32, #tpu.memory_space<vmem>>, vector<3136x128xf32>
    tpu.vector_store %arg6[%swap3A, %swap3A_75], %mul3A_74 {strides = array<i32>} : memref<3136x128xf32, #tpu.memory_space<vmem>>, vector<3136x128xf32>,
    return
  }
  func.func @transform_0(%arg0: i32) -> (i32, i32, i32) {
    %c0_i32 = arith.constant 0 : i32
    %c0_i32_0 = arith.constant 0 : i32
    %c0_i32_1 = arith.constant 0 : i32
    return %c0_i32, %arg0, %c0_i32_0 : i32, i32, i32
  }
  func.func @transform_1(%arg0: i32) -> (i32, i32) {
    %c0_i32 = arith.constant 0 : i32
    %c0_i32_0 = arith.constant 0 : i32
    return %arg0, %c0_i32 : i32, i32
  }
  func.func @transform_2(%arg0: i32) -> (i32, i32) {
    %c0_i32 = arith.constant 0 : i32
    %c0_i32_0 = arith.constant 0 : i32
    return %arg0, %c0_i32 : i32, i32
  }
  func.func @transform_3(%arg0: i32) -> (i32, i32) {
    %c0_i32 = arith.constant 0 : i32
    %c0_i32_0 = arith.constant 0 : i32
    %c0_i32_1 = arith.constant 0 : i32
    return %c0_i32, %c0_i32_0 : i32, i32
  }
  func.func @transform_4(%arg0: i32) -> (i32, i32) {
    %c0_i32 = arith.constant 0 : i32
    %c0_i32_0 = arith.constant 0 : i32
    %c0_i32_1 = arith.constant 0 : i32
    return %c0_i32, %c0_i32_0 : i32, i32
  }
  func.func @transform_5(%arg0: i32) -> (i32, i32) {
    %c0_i32 = arith.constant 0 : i32
    %c0_i32_0 = arith.constant 0 : i32
    return %arg0, %c0_i32 : i32, i32
  }
}

module attributes {stable_mosaic.version = 14 : i64} {
  func.func @_final_body(%arg0: i32, %arg1: memref<2x3136x128xf32, #tpu.memory_space<vmem>>, %arg2: memref<3136x128xf32, #tpu.memory_space<vmem>>, %arg3: memref<3136x128xf32, #tpu.memory_space<vmem>>, %arg4: memref<1x128xf32, #tpu.memory_space<vmem>>, %arg5: memref<16x2xf32, #tpu.memory_space<vmem>>, %arg6: memref<1x2xf32, #tpu.memory_space<vmem>>, %arg7: memref<3136x8xf32, #tpu.memory_space<vmem>>, %arg8: memref<3136x128xf32, #tpu.memory_space<vmem>>) attributes {dimension_semantics = [#tpu.dimension_semantics<arbitrary>], iteration_bounds = array<i64: 4>, scalar_prefetch = 0 : i64, scratch_operands = 0 : i64, tpu.core_type = #tpu.core_type<tc>, window_params = [{transform_indices = @transform_0, window_bounds = array<i64: 2, 3136, 128>}, {transform_indices = @transform_1, window_bounds = array<i64: 3136, 128>}, {transform_indices = @transform_2, window_bounds = array<i64: 3136, 128>}, {pipeline_mode = #tpu.pipeline_mode<synchronous>, transform_indices = @transform_3, window_bounds = array<i64: 1, 128>}, {pipeline_mode = #tpu.pipeline_mode<synchronous>, transform_indices = @transform_4, window_bounds = array<i64: 16, 2>}, {pipeline_mode = #tpu.pipeline_mode<synchronous>, transform_indices = @transform_5, window_bounds = array<i64: 1, 2>}, {transform_indices = @transform_6, window_bounds = array<i64: 3136, 8>}, {transform_indices = @transform_7, window_bounds = array<i64: 3136, 128>}]} {
    %get3A = arith.constant 0 : index
    %get3A_0 = arith.constant 0 : index
    %get3A_1 = arith.constant 0 : index
    %get3A_2 = vector.load %arg1[%get3A, %get3A_0, %get3A_1] : memref<2x3136x128xf32, #tpu.memory_space<vmem>>, vector<1x3136x128xf32>
    %get3A_3 = vector.shape_cast %get3A_2 : vector<1x3136x128xf32> to vector<3136x128xf32>
    %get3A_4 = arith.constant 1 : index
    %get3A_5 = arith.constant 0 : index
    %get3A_6 = arith.constant 0 : index
    %get3A_7 = vector.load %arg1[%get3A_4, %get3A_5, %get3A_6] : memref<2x3136x128xf32, #tpu.memory_space<vmem>>, vector<1x3136x128xf32>
    %get3A_8 = vector.shape_cast %get3A_7 : vector<1x3136x128xf32> to vector<3136x128xf32>
    %add3A = arith.addf %get3A_3, %get3A_8 : vector<3136x128xf32>
    %get3A_9 = arith.constant 0 : index
    %get3A_10 = arith.constant 0 : index
    %get3A_11 = vector.load %arg2[%get3A_9, %get3A_10] : memref<3136x128xf32, #tpu.memory_space<vmem>>, vector<3136x128xf32>
    %add3A_12 = arith.addf %add3A, %get3A_11 : vector<3136x128xf32>
    %get3A_13 = arith.constant 0 : index
    %get3A_14 = arith.constant 0 : index
    %get3A_15 = vector.load %arg3[%get3A_13, %get3A_14] : memref<3136x128xf32, #tpu.memory_space<vmem>>, vector<3136x128xf32>
    %mul3A = arith.mulf %get3A_15, %add3A_12 : vector<3136x128xf32>
    %get3A_16 = arith.constant 0 : index
    %get3A_17 = arith.constant 0 : index
    %get3A_18 = vector.load %arg4[%get3A_16, %get3A_17] : memref<1x128xf32, #tpu.memory_space<vmem>>, vector<1x128xf32>
    %add3A_19 = vector.broadcast %get3A_18 : vector<1x128xf32> to vector<3136x128xf32>
    %add3A_20 = arith.addf %mul3A, %add3A_19 : vector<3136x128xf32>
    %jit3A = arith.constant 0.00999999977 : f32
    %ge3A = arith.constant 0.000000e+00 : f32
    %ge3A_21 = vector.broadcast %ge3A : f32 to vector<3136x128xf32>
    %ge3A_22 = arith.cmpf oge, %add3A_20, %ge3A_21 : vector<3136x128xf32>
    %mul3A_23 = vector.broadcast %jit3A : f32 to vector<3136x128xf32>
    %mul3A_24 = arith.mulf %mul3A_23, %add3A_20 : vector<3136x128xf32>
    %select_n3A = arith.select %ge3A_22, %add3A_20, %mul3A_24 : vector<3136x128xi1>, vector<3136x128xf32>
    %swap3A = arith.constant 0 : index
    %swap3A_25 = arith.constant 0 : index
    %swap3A_26 = vector.load %arg8[%swap3A, %swap3A_25] : memref<3136x128xf32, #tpu.memory_space<vmem>>, vector<3136x128xf32>
    tpu.vector_store %arg8[%swap3A, %swap3A_25], %select_n3A {strides = array<i32>} : memref<3136x128xf32, #tpu.memory_space<vmem>>, vector<3136x128xf32>,
    %slice3A = vector.extract_strided_slice %select_n3A {offsets = [0, 0], sizes = [3136, 16], strides = [1, 1]} : vector<3136x128xf32> to vector<3136x16xf32>
    %get3A_27 = arith.constant 0 : index
    %get3A_28 = arith.constant 0 : index
    %get3A_29 = vector.load %arg5[%get3A_27, %get3A_28] : memref<16x2xf32, #tpu.memory_space<vmem>>, vector<16x2xf32>
    %dot_general3A = arith.constant dense<0.000000e+00> : vector<3136x2xf32>
    %dot_general3A_30 = tpu.matmul %slice3A, %get3A_29, %dot_general3A {dimension_numbers = #tpu.dot_dimension_numbers<[1], [0], [0], [1], [0, 0, 1, 1], [], []>, transpose_lhs_hint = false} : vector<3136x16xf32>, vector<16x2xf32>, vector<3136x2xf32> -> vector<3136x2xf32>
    %get3A_31 = arith.constant 0 : index
    %get3A_32 = arith.constant 0 : index
    %get3A_33 = vector.load %arg6[%get3A_31, %get3A_32] : memref<1x2xf32, #tpu.memory_space<vmem>>, vector<1x2xf32>
    %add3A_34 = vector.broadcast %get3A_33 : vector<1x2xf32> to vector<3136x2xf32>
    %add3A_35 = arith.addf %dot_general3A_30, %add3A_34 : vector<3136x2xf32>
    %reduce_sum3A = arith.constant dense<0.000000e+00> : vector<3136xf32>
    %reduce_sum3A_36 = vector.multi_reduction <add>, %add3A_35, %reduce_sum3A [1] : vector<3136x2xf32> to vector<3136xf32>
    %broadcast_in_dim3A = vector.shape_cast %reduce_sum3A_36 : vector<3136xf32> to vector<3136x1xf32>
    %slice3A_37 = vector.extract_strided_slice %select_n3A {offsets = [0, 16], sizes = [3136, 16], strides = [1, 1]} : vector<3136x128xf32> to vector<3136x16xf32>
    %get3A_38 = arith.constant 0 : index
    %get3A_39 = arith.constant 0 : index
    %get3A_40 = vector.load %arg5[%get3A_38, %get3A_39] : memref<16x2xf32, #tpu.memory_space<vmem>>, vector<16x2xf32>
    %dot_general3A_41 = arith.constant dense<0.000000e+00> : vector<3136x2xf32>
    %dot_general3A_42 = tpu.matmul %slice3A_37, %get3A_40, %dot_general3A_41 {dimension_numbers = #tpu.dot_dimension_numbers<[1], [0], [0], [1], [0, 0, 1, 1], [], []>, transpose_lhs_hint = false} : vector<3136x16xf32>, vector<16x2xf32>, vector<3136x2xf32> -> vector<3136x2xf32>
    %get3A_43 = arith.constant 0 : index
    %get3A_44 = arith.constant 0 : index
    %get3A_45 = vector.load %arg6[%get3A_43, %get3A_44] : memref<1x2xf32, #tpu.memory_space<vmem>>, vector<1x2xf32>
    %add3A_46 = vector.broadcast %get3A_45 : vector<1x2xf32> to vector<3136x2xf32>
    %add3A_47 = arith.addf %dot_general3A_42, %add3A_46 : vector<3136x2xf32>
    %reduce_sum3A_48 = arith.constant dense<0.000000e+00> : vector<3136xf32>
    %reduce_sum3A_49 = vector.multi_reduction <add>, %add3A_47, %reduce_sum3A_48 [1] : vector<3136x2xf32> to vector<3136xf32>
    %broadcast_in_dim3A_50 = vector.shape_cast %reduce_sum3A_49 : vector<3136xf32> to vector<3136x1xf32>
    %slice3A_51 = vector.extract_strided_slice %select_n3A {offsets = [0, 32], sizes = [3136, 16], strides = [1, 1]} : vector<3136x128xf32> to vector<3136x16xf32>
    %get3A_52 = arith.constant 0 : index
    %get3A_53 = arith.constant 0 : index
    %get3A_54 = vector.load %arg5[%get3A_52, %get3A_53] : memref<16x2xf32, #tpu.memory_space<vmem>>, vector<16x2xf32>
    %dot_general3A_55 = arith.constant dense<0.000000e+00> : vector<3136x2xf32>
    %dot_general3A_56 = tpu.matmul %slice3A_51, %get3A_54, %dot_general3A_55 {dimension_numbers = #tpu.dot_dimension_numbers<[1], [0], [0], [1], [0, 0, 1, 1], [], []>, transpose_lhs_hint = false} : vector<3136x16xf32>, vector<16x2xf32>, vector<3136x2xf32> -> vector<3136x2xf32>
    %get3A_57 = arith.constant 0 : index
    %get3A_58 = arith.constant 0 : index
    %get3A_59 = vector.load %arg6[%get3A_57, %get3A_58] : memref<1x2xf32, #tpu.memory_space<vmem>>, vector<1x2xf32>
    %add3A_60 = vector.broadcast %get3A_59 : vector<1x2xf32> to vector<3136x2xf32>
    %add3A_61 = arith.addf %dot_general3A_56, %add3A_60 : vector<3136x2xf32>
    %reduce_sum3A_62 = arith.constant dense<0.000000e+00> : vector<3136xf32>
    %reduce_sum3A_63 = vector.multi_reduction <add>, %add3A_61, %reduce_sum3A_62 [1] : vector<3136x2xf32> to vector<3136xf32>
    %broadcast_in_dim3A_64 = vector.shape_cast %reduce_sum3A_63 : vector<3136xf32> to vector<3136x1xf32>
    %slice3A_65 = vector.extract_strided_slice %select_n3A {offsets = [0, 48], sizes = [3136, 16], strides = [1, 1]} : vector<3136x128xf32> to vector<3136x16xf32>
    %get3A_66 = arith.constant 0 : index
    %get3A_67 = arith.constant 0 : index
    %get3A_68 = vector.load %arg5[%get3A_66, %get3A_67] : memref<16x2xf32, #tpu.memory_space<vmem>>, vector<16x2xf32>
    %dot_general3A_69 = arith.constant dense<0.000000e+00> : vector<3136x2xf32>
    %dot_general3A_70 = tpu.matmul %slice3A_65, %get3A_68, %dot_general3A_69 {dimension_numbers = #tpu.dot_dimension_numbers<[1], [0], [0], [1], [0, 0, 1, 1], [], []>, transpose_lhs_hint = false} : vector<3136x16xf32>, vector<16x2xf32>, vector<3136x2xf32> -> vector<3136x2xf32>
    %get3A_71 = arith.constant 0 : index
    %get3A_72 = arith.constant 0 : index
    %get3A_73 = vector.load %arg6[%get3A_71, %get3A_72] : memref<1x2xf32, #tpu.memory_space<vmem>>, vector<1x2xf32>
    %add3A_74 = vector.broadcast %get3A_73 : vector<1x2xf32> to vector<3136x2xf32>
    %add3A_75 = arith.addf %dot_general3A_70, %add3A_74 : vector<3136x2xf32>
    %reduce_sum3A_76 = arith.constant dense<0.000000e+00> : vector<3136xf32>
    %reduce_sum3A_77 = vector.multi_reduction <add>, %add3A_75, %reduce_sum3A_76 [1] : vector<3136x2xf32> to vector<3136xf32>
    %broadcast_in_dim3A_78 = vector.shape_cast %reduce_sum3A_77 : vector<3136xf32> to vector<3136x1xf32>
    %slice3A_79 = vector.extract_strided_slice %select_n3A {offsets = [0, 64], sizes = [3136, 16], strides = [1, 1]} : vector<3136x128xf32> to vector<3136x16xf32>
    %get3A_80 = arith.constant 0 : index
    %get3A_81 = arith.constant 0 : index
    %get3A_82 = vector.load %arg5[%get3A_80, %get3A_81] : memref<16x2xf32, #tpu.memory_space<vmem>>, vector<16x2xf32>
    %dot_general3A_83 = arith.constant dense<0.000000e+00> : vector<3136x2xf32>
    %dot_general3A_84 = tpu.matmul %slice3A_79, %get3A_82, %dot_general3A_83 {dimension_numbers = #tpu.dot_dimension_numbers<[1], [0], [0], [1], [0, 0, 1, 1], [], []>, transpose_lhs_hint = false} : vector<3136x16xf32>, vector<16x2xf32>, vector<3136x2xf32> -> vector<3136x2xf32>
    %get3A_85 = arith.constant 0 : index
    %get3A_86 = arith.constant 0 : index
    %get3A_87 = vector.load %arg6[%get3A_85, %get3A_86] : memref<1x2xf32, #tpu.memory_space<vmem>>, vector<1x2xf32>
    %add3A_88 = vector.broadcast %get3A_87 : vector<1x2xf32> to vector<3136x2xf32>
    %add3A_89 = arith.addf %dot_general3A_84, %add3A_88 : vector<3136x2xf32>
    %reduce_sum3A_90 = arith.constant dense<0.000000e+00> : vector<3136xf32>
    %reduce_sum3A_91 = vector.multi_reduction <add>, %add3A_89, %reduce_sum3A_90 [1] : vector<3136x2xf32> to vector<3136xf32>
    %broadcast_in_dim3A_92 = vector.shape_cast %reduce_sum3A_91 : vector<3136xf32> to vector<3136x1xf32>
    %slice3A_93 = vector.extract_strided_slice %select_n3A {offsets = [0, 80], sizes = [3136, 16], strides = [1, 1]} : vector<3136x128xf32> to vector<3136x16xf32>
    %get3A_94 = arith.constant 0 : index
    %get3A_95 = arith.constant 0 : index
    %get3A_96 = vector.load %arg5[%get3A_94, %get3A_95] : memref<16x2xf32, #tpu.memory_space<vmem>>, vector<16x2xf32>
    %dot_general3A_97 = arith.constant dense<0.000000e+00> : vector<3136x2xf32>
    %dot_general3A_98 = tpu.matmul %slice3A_93, %get3A_96, %dot_general3A_97 {dimension_numbers = #tpu.dot_dimension_numbers<[1], [0], [0], [1], [0, 0, 1, 1], [], []>, transpose_lhs_hint = false} : vector<3136x16xf32>, vector<16x2xf32>, vector<3136x2xf32> -> vector<3136x2xf32>
    %get3A_99 = arith.constant 0 : index
    %get3A_100 = arith.constant 0 : index
    %get3A_101 = vector.load %arg6[%get3A_99, %get3A_100] : memref<1x2xf32, #tpu.memory_space<vmem>>, vector<1x2xf32>
    %add3A_102 = vector.broadcast %get3A_101 : vector<1x2xf32> to vector<3136x2xf32>
    %add3A_103 = arith.addf %dot_general3A_98, %add3A_102 : vector<3136x2xf32>
    %reduce_sum3A_104 = arith.constant dense<0.000000e+00> : vector<3136xf32>
    %reduce_sum3A_105 = vector.multi_reduction <add>, %add3A_103, %reduce_sum3A_104 [1] : vector<3136x2xf32> to vector<3136xf32>
    %broadcast_in_dim3A_106 = vector.shape_cast %reduce_sum3A_105 : vector<3136xf32> to vector<3136x1xf32>
    %slice3A_107 = vector.extract_strided_slice %select_n3A {offsets = [0, 96], sizes = [3136, 16], strides = [1, 1]} : vector<3136x128xf32> to vector<3136x16xf32>
    %get3A_108 = arith.constant 0 : index
    %get3A_109 = arith.constant 0 : index
    %get3A_110 = vector.load %arg5[%get3A_108, %get3A_109] : memref<16x2xf32, #tpu.memory_space<vmem>>, vector<16x2xf32>
    %dot_general3A_111 = arith.constant dense<0.000000e+00> : vector<3136x2xf32>
    %dot_general3A_112 = tpu.matmul %slice3A_107, %get3A_110, %dot_general3A_111 {dimension_numbers = #tpu.dot_dimension_numbers<[1], [0], [0], [1], [0, 0, 1, 1], [], []>, transpose_lhs_hint = false} : vector<3136x16xf32>, vector<16x2xf32>, vector<3136x2xf32> -> vector<3136x2xf32>
    %get3A_113 = arith.constant 0 : index
    %get3A_114 = arith.constant 0 : index
    %get3A_115 = vector.load %arg6[%get3A_113, %get3A_114] : memref<1x2xf32, #tpu.memory_space<vmem>>, vector<1x2xf32>
    %add3A_116 = vector.broadcast %get3A_115 : vector<1x2xf32> to vector<3136x2xf32>
    %add3A_117 = arith.addf %dot_general3A_112, %add3A_116 : vector<3136x2xf32>
    %reduce_sum3A_118 = arith.constant dense<0.000000e+00> : vector<3136xf32>
    %reduce_sum3A_119 = vector.multi_reduction <add>, %add3A_117, %reduce_sum3A_118 [1] : vector<3136x2xf32> to vector<3136xf32>
    %broadcast_in_dim3A_120 = vector.shape_cast %reduce_sum3A_119 : vector<3136xf32> to vector<3136x1xf32>
    %slice3A_121 = vector.extract_strided_slice %select_n3A {offsets = [0, 112], sizes = [3136, 16], strides = [1, 1]} : vector<3136x128xf32> to vector<3136x16xf32>
    %get3A_122 = arith.constant 0 : index
    %get3A_123 = arith.constant 0 : index
    %get3A_124 = vector.load %arg5[%get3A_122, %get3A_123] : memref<16x2xf32, #tpu.memory_space<vmem>>, vector<16x2xf32>
    %dot_general3A_125 = arith.constant dense<0.000000e+00> : vector<3136x2xf32>
    %dot_general3A_126 = tpu.matmul %slice3A_121, %get3A_124, %dot_general3A_125 {dimension_numbers = #tpu.dot_dimension_numbers<[1], [0], [0], [1], [0, 0, 1, 1], [], []>, transpose_lhs_hint = false} : vector<3136x16xf32>, vector<16x2xf32>, vector<3136x2xf32> -> vector<3136x2xf32>
    %get3A_127 = arith.constant 0 : index
    %get3A_128 = arith.constant 0 : index
    %get3A_129 = vector.load %arg6[%get3A_127, %get3A_128] : memref<1x2xf32, #tpu.memory_space<vmem>>, vector<1x2xf32>
    %add3A_130 = vector.broadcast %get3A_129 : vector<1x2xf32> to vector<3136x2xf32>
    %add3A_131 = arith.addf %dot_general3A_126, %add3A_130 : vector<3136x2xf32>
    %reduce_sum3A_132 = arith.constant dense<0.000000e+00> : vector<3136xf32>
    %reduce_sum3A_133 = vector.multi_reduction <add>, %add3A_131, %reduce_sum3A_132 [1] : vector<3136x2xf32> to vector<3136xf32>
    %broadcast_in_dim3A_134 = vector.shape_cast %reduce_sum3A_133 : vector<3136xf32> to vector<3136x1xf32>
    %concatenate3A = tpu.concatenate %broadcast_in_dim3A, %broadcast_in_dim3A_50, %broadcast_in_dim3A_64, %broadcast_in_dim3A_78, %broadcast_in_dim3A_92, %broadcast_in_dim3A_106, %broadcast_in_dim3A_120, %broadcast_in_dim3A_134 in 1 : vector<3136x1xf32>, vector<3136x1xf32>, vector<3136x1xf32>, vector<3136x1xf32>, vector<3136x1xf32>, vector<3136x1xf32>, vector<3136x1xf32>, vector<3136x1xf32> -> vector<3136x8xf32>
    %swap3A_135 = arith.constant 0 : index
    %swap3A_136 = arith.constant 0 : index
    %swap3A_137 = vector.load %arg7[%swap3A_135, %swap3A_136] : memref<3136x8xf32, #tpu.memory_space<vmem>>, vector<3136x8xf32>
    tpu.vector_store %arg7[%swap3A_135, %swap3A_136], %concatenate3A {strides = array<i32>} : memref<3136x8xf32, #tpu.memory_space<vmem>>, vector<3136x8xf32>,
    return
  }
  func.func @transform_0(%arg0: i32) -> (i32, i32, i32) {
    %c0_i32 = arith.constant 0 : i32
    %c0_i32_0 = arith.constant 0 : i32
    %c0_i32_1 = arith.constant 0 : i32
    return %c0_i32, %arg0, %c0_i32_0 : i32, i32, i32
  }
  func.func @transform_1(%arg0: i32) -> (i32, i32) {
    %c0_i32 = arith.constant 0 : i32
    %c0_i32_0 = arith.constant 0 : i32
    return %arg0, %c0_i32 : i32, i32
  }
  func.func @transform_2(%arg0: i32) -> (i32, i32) {
    %c0_i32 = arith.constant 0 : i32
    %c0_i32_0 = arith.constant 0 : i32
    return %arg0, %c0_i32 : i32, i32
  }
  func.func @transform_3(%arg0: i32) -> (i32, i32) {
    %c0_i32 = arith.constant 0 : i32
    %c0_i32_0 = arith.constant 0 : i32
    %c0_i32_1 = arith.constant 0 : i32
    return %c0_i32, %c0_i32_0 : i32, i32
  }
  func.func @transform_4(%arg0: i32) -> (i32, i32) {
    %c0_i32 = arith.constant 0 : i32
    %c0_i32_0 = arith.constant 0 : i32
    %c0_i32_1 = arith.constant 0 : i32
    return %c0_i32, %c0_i32_0 : i32, i32
  }
  func.func @transform_5(%arg0: i32) -> (i32, i32) {
    %c0_i32 = arith.constant 0 : i32
    %c0_i32_0 = arith.constant 0 : i32
    %c0_i32_1 = arith.constant 0 : i32
    return %c0_i32, %c0_i32_0 : i32, i32
  }
  func.func @transform_6(%arg0: i32) -> (i32, i32) {
    %c0_i32 = arith.constant 0 : i32
    %c0_i32_0 = arith.constant 0 : i32
    return %arg0, %c0_i32 : i32, i32
  }
  func.func @transform_7(%arg0: i32) -> (i32, i32) {
    %c0_i32 = arith.constant 0 : i32
    %c0_i32_0 = arith.constant 0 : i32
    return %arg0, %c0_i32 : i32, i32
  }
}

</mosaic_0001>

<sc_bundles>
// kernel: kernel.12.cloned.1.call-start
scs
__scs_entry_jumppad:
0x0: {  	(pc) =	sbr.rel $0x88, $3  }
0x1: {  	(tag) =	ssettag $0x0;
	lr =	simm.s32 $0x1  }
0x2: {  	[smem:$0x3F95] =	sst lr;
	_ =	strace $0xD0000000  }
0x3: {  	_ = 	snop  }
0x4: {  	_ = 	snop  }
0x5: {  	_ = 	snop  }
0x6: {  	_ = 	snop  }
0x7: {  	_ = 	snop  }
__scs_overlays_trampoline_lowered:
0x8: {  	[smem:$0x3FA4] =	sst s0  }
0x9: {  	[smem:$0x3FA5] =	sst s1  }
0xa: {  	[smem:$0x3FA6] =	sst s2  }
0xb: {  	[smem:$0x3FA7] =	sst s3  }
0xc: {  	[smem:$0x3FA8] =	sst s4  }
0xd: {  	[smem:$0x3FA9] =	sst s5  }
0xe: {  	[smem:$0x3FAA] =	sst s6  }
0xf: {  	[smem:$0x3FAB] =	sst s7  }
0x10: {  	[smem:$0x3FAC] =	sst s8  }
0x11: {  	[smem:$0x3FAD] =	sst s9;
	s0 =	simm.s32 @!p0 $0x0  }
0x12: {  	s1 =	sld [smem:$0x3F93];
	s0 =	simm.s32 @p0 $0x1  }
0x13: {  	[smem:$0x3FAE] =	sst s0;
	s0 =	simm.s32 @!p1 $0x0  }
0x14: {  	s2 =	sld [smem:$0x3F92];
	s0 =	simm.s32 @p1 $0x1  }
0x15: {  	[smem:$0x3FAF] =	sst s0;
	s0 =	simm.s32 @!p2 $0x0  }
0x16: {  	s3 =	sld [smem:$0x3FDB];
	s0 =	simm.s32 @p2 $0x1  }
0x17: {  	s4 =	simm.s32 $0x1BF5;
	[smem:$0x3FB1] =	sst s0  }
0x18: {  	s0 =	sld [smem:$0x3F94];
	_ =	swait.ge [sflag:s4], $0x0  }
0x19: {  	s7 =	sld [smem:$0x3F95]  }
0x1a: {  	s8 =	sadd.s32 $0xFFFFE003, lr  }
0x1b: {  	s9 =	sadd.s32 $0xFFFFFEF7, lr;
	s5 =	simm.s32 $0xFFFFFFFF;
	p2 =	slt.u32 s8, $0xFFFFF086  }
0x1c: {  	p1 =	slt.u32 s9, $0xF7A;
	s5 =	simm.s32 @!p2 $0x0  }
0x1d: {  	s5 =	simm.s32 @p1 $0x1;
	p0 =	seq.s32 s7, s2  }
0x1e: {  	s7 =	smul.u32 @!p0 $0xF7A, s2;
	p2 =	seq.s32 @!p0 s5, $0x0  }
0x1f: {  	s9 =	smul.u32 $0xF7A, s1;
	s8 =	simm.s32 @!p0 $0x1BF5;
	p2 =	por !p2, p0  }
0x20: {  	[sflag:s8] =	ssyncset.s32 @!p0 $0xFFFFF086;
	s6 =	sadd.s32 @!p0 s3, s7;
	s7 =	simm.s32 @!p0 $0x108  }
0x21: {  	s3 =	sadd.s32 s3, s9;
	s6 =	sadd.s32 @!p0 $0x88, s6;
	s7 =	simm.s32 @p2 $0x1082  }
0x22: {  	[simem:s7], [sflag:s8] =	dma.local @!p0 [hbm:s6], $0xF7A  }
0x23: {  	s9 =	sor.u32 $0xD0000000, s2;
	s6 =	simm.s32 $0x108;
	_ =	swait.ge @!p0 [sflag:s8], $0x0  }
0x24: {  	s3 =	sadd.s32 $0x88, s3;
	s6 =	simm.s32 @!p1 $0x1082;
	[sflag:s4] =	ssyncset.s32 $0xFFFFF086  }
0x25: {  	[simem:s6], [sflag:s4] =	dma.local [hbm:s3], $0xF7A  }
0x26: {  	[smem:$0x3F95] =	sst s1;
	(tag) =	ssettag s2;
	_ =	strace s9  }
0x27: {  	s1 =	sld [smem:$0x3FA5]  }
0x28: {  	s2 =	sld [smem:$0x3FA6]  }
0x29: {  	s4 =	sld [smem:$0x3FA8]  }
0x2a: {  	p0 =	seq.s32 s5, $0x0;
	s5 =	sld [smem:$0x3FA9]  }
0x2b: {  	s6 =	sld [smem:$0x3FAA]  }
0x2c: {  	s7 =	sld [smem:$0x3FAB]  }
0x2d: {  	s3 =	simm.s32 $0x108;
	s8 =	sld [smem:$0x3FAC]  }
0x2e: {  	s3 =	simm.s32 @!p0 $0x1082;
	s9 =	sld [smem:$0x3FAD]  }
0x2f: {  	lr =	sadd.s32 s0, s3;
	s0 =	sld [smem:$0x3FA4]  }
0x30: {  	s3 =	sld [smem:$0x3FA7]  }
0x31: {  	[smem:$0x3FB0] =	sst s10  }
0x32: {  	s10 =	sld [smem:$0x3FAE];
	_ =	sdelay $0x3  }
0x33: {  	p0 =	seq.s32 s10, $0x1;
	s10 =	sld [smem:$0x3FB0];
	_ =	sdelay $0x3  }
0x34: {  	[smem:$0x3FB0] =	sst s10  }
0x35: {  	s10 =	sld [smem:$0x3FAF];
	_ =	sdelay $0x3  }
0x36: {  	p1 =	seq.s32 s10, $0x1;
	s10 =	sld [smem:$0x3FB0];
	_ =	sdelay $0x3  }
0x37: {  	[smem:$0x3FB0] =	sst s10  }
0x38: {  	s10 =	sld [smem:$0x3FB1]  }
0x39: {  	_ = 	snop;
	(pc) =	sbr.ind lr, $3  }
0x3a: {  	_ = 	snop  }
0x3b: {  	_ = 	snop  }
0x3c: {  	p2 =	seq.s32 s10, $0x1;
	s10 =	sld [smem:$0x3FB0]  }
0x3d: {  	_ =	shalt  }
0x3e: {  	_ =	shalt  }
0x3f: {  	_ =	shalt  }
0x40: {  	_ =	shalt  }
0x41: {  	_ =	shalt  }
0x42: {  	_ =	shalt  }
0x43: {  	_ =	shalt  }
0x44: {  	_ =	shalt  }
0x45: {  	_ =	shalt  }
0x46: {  	_ =	shalt  }
0x47: {  	_ =	shalt  }
0x48: {  	_ =	shalt  }
0x49: {  	_ =	shalt  }
0x4a: {  	_ =	shalt  }
0x4b: {  	_ =	shalt  }
0x4c: {  	_ =	shalt  }
0x4d: {  	_ =	shalt  }
0x4e: {  	_ =	shalt  }
0x4f: {  	_ =	shalt  }
0x50: {  	_ =	shalt  }
0x51: {  	_ =	shalt  }
0x52: {  	_ =	shalt  }
0x53: {  	_ =	shalt  }
0x54: {  	_ =	shalt  }
0x55: {  	_ =	shalt  }
0x56: {  	_ =	shalt  }
0x57: {  	_ =	shalt  }
0x58: {  	_ =	shalt  }
0x59: {  	_ =	shalt  }
0x5a: {  	_ =	shalt  }
0x5b: {  	_ =	shalt  }
0x5c: {  	_ =	shalt  }
0x5d: {  	_ =	shalt  }
0x5e: {  	_ =	shalt  }
0x5f: {  	_ =	shalt  }
0x60: {  	_ =	shalt  }
0x61: {  	_ =	shalt  }
0x62: {  	_ =	shalt  }
0x63: {  	_ =	shalt  }
0x64: {  	_ =	shalt  }
0x65: {  	_ =	shalt  }
0x66: {  	_ =	shalt  }
0x67: {  	_ =	shalt  }
0x68: {  	_ =	shalt  }
0x69: {  	_ =	shalt  }
0x6a: {  	_ =	shalt  }
0x6b: {  	_ =	shalt  }
0x6c: {  	_ =	shalt  }
0x6d: {  	_ =	shalt  }
0x6e: {  	_ =	shalt  }
0x6f: {  	_ =	shalt  }
0x70: {  	_ =	shalt  }
0x71: {  	_ =	shalt  }
0x72: {  	_ =	shalt  }
0x73: {  	_ =	shalt  }
0x74: {  	_ =	shalt  }
0x75: {  	_ =	shalt  }
0x76: {  	_ =	shalt  }
0x77: {  	_ =	shalt  }
0x78: {  	_ =	shalt  }
0x79: {  	_ =	shalt  }
0x7a: {  	_ =	shalt  }
0x7b: {  	_ =	shalt  }
0x7c: {  	_ =	shalt  }
0x7d: {  	_ =	shalt  }
0x7e: {  	_ =	shalt  }
0x7f: {  	_ =	shalt  }
0x80: {  	_ =	shalt  }
0x81: {  	_ =	shalt  }
0x82: {  	_ =	shalt  }
0x83: {  	_ =	shalt  }
0x84: {  	_ =	shalt  }
0x85: {  	_ =	shalt  }
0x86: {  	_ =	shalt  }
0x87: {  	_ =	shalt  }
.Lfunc_end0:
.L_simem_size_0:
called_computation.1_lowered:
.L_overlay_start_0:
0x88: {  	s2 =	sld [smem:$0x3FD9]  }
0x89: {  	s3 =	sld [smem:$0x3FFE];
	_ =	sdelay $0x1  }
0x8a: {  	s1 =	srdreg.scid  }
0x8b: {  	s0 =	sand.u32 $0x1, s1  }
0x8c: {  	s16 =	sshll.u32 s0, $0xA;
	s2 =	sadd.s32 s3, s2  }
0x8d: {  	s2 =	sadd.s32 s2, s16  }
0x8e: {  	[smem:$0x3FBC] =	sst s2  }
0x8f: {  	_ = 	snop  }
0x90: {  	(tm) =	ssettm $0x1  }
0x91: {  	s17 =	sld [smem:$0x3FFB];
	_ =	sdelay $0x3  }
0x92: {  	_ =	strace s17  }
0x93: {  	s2 =	sld [smem:$0x3FFC];
	_ =	sdelay $0x3  }
0x94: {  	_ =	strace s2  }
0x95: {  	s2 =	sld [smem:$0x3FFD];
	_ =	sdelay $0x3  }
0x96: {  	_ =	strace s2  }
0x97: {  	_ =	strace $0x8FFFFFFF  }
0x98: {  	s18 =	sld [smem:$0x3FDB];
	_ =	sdelay $0x1  }
0x99: {  	s19 =	simm.s32 $_scs_section_size  }
0x9a: {  	s4 =	simm.s32 $_size__tile_overlayer_lowered;
	s5 =	simm.s32 $_tile_overlayer_lowered  }
0x9b: {  	s22 =	simm.s32 $0x1BFF;
	s21 =	sshll.u32 s5, $0x1;
	s2 =	sadd.s32 s19, s18  }
0x9c: {  	s6 =	simm.s32 $0x0;
	s20 =	sshll.u32 s4, $0x1;
	s4 =	sadd.s32 s21, s2  }
0x9d: {  	[timem:s6], [sflag:s22] =	dma.local [hbm:s4], s20  }
0x9e: {  	_ =	swait.ge [sflag:s22], s20  }
0x9f: {  	s3 =	ssub.s32 $0x0, s20;
	[sflag:s22] =	ssyncset.done $0x0  }
0xa0: {  	[sflag:s22] =	ssyncadd.s32 s3;
	_ =	sdelay $0x1  }
0xa1: {  	s23 =	simm.s32 $0x1B8B  }
0xa2: {  	_ =	swait.ge [sflag:s23], $0x1  }
0xa3: {  	[sflag:s23] =	ssyncset.done $0x0  }
0xa4: {  	s25 =	simm.s32 $0x1B8E;
	s24 =	sld [smem:$0x3FFE];
	[sflag:s23] =	ssyncadd.s32 $0xFFFFFFFF  }
0xa5: {  	s26 =	simm.s32 $execute0_lowered;
	[smem:$0x3FD2] =	sst s25  }
0xa6: {  	s4 =	sshll.u32 s26, $0x1;
	_ =	strace $0x80000049;
	[dreg:$0x1] =	wrdreg $0xFFFFFFFF  }
0xa7: {  	s28 =	simm.s32 $_size_execute0_lowered;
	s2 =	sadd.s32 s2, s4;
	[dreg:$0x0] =	wrdreg $0x0  }
0xa8: {  	s4 =	sshll.u32 s28, $0x1;
	[dreg:$0x2] =	wrdreg s2  }
0xa9: {  	[dreg:$0x3] =	wrdreg s4  }
0xaa: {  	[dreg:$0x4] =	wrdreg $0xC0  }
0xab: {  	_ =	task [dreg:s6], $0x5FFFF  }
0xac: {  	[dreg:$0x1] =	wrdreg $0xFFFFFFFF  }
0xad: {  	[dreg:$0x0] =	wrdreg $0x60  }
0xae: {  	[dreg:$0x2] =	wrdreg s24  }
0xaf: {  	[dreg:$0x3] =	wrdreg $0x70800  }
0xb0: {  	[dreg:$0x4] =	wrdreg $0x9  }
0xb1: {  	_ =	task.clear_ibuf [dreg:s6], $0x5FFFF;
	_ =	strace $0x90000049  }
0xb2: {  	s29 =	simm.s32 $0x9;
	_ =	strace $0x8000004B  }
0xb3: {  	_ =	swait.ge [sflag:s29], $0x1  }
0xb4: {  	[sflag:s29] =	ssyncadd.s32 $0xFFFFFFFF  }
0xb5: {  	_ =	strace $0x9000004B  }
0xb6: {  	_ =	sfence  }
0xb7: {  	s30 =	sld [smem:$0x0];
	_ =	sdelay $0x2  }
0xb8: {  	s31 =	sshll.u32 s1, $0xD;
	s1 =	sshrl.u32 s1, $0x2  }
0xb9: {  	s3 =	sand.u32 $0x4000, s31;
	s1 =	sadd.s32 s1, s30  }
0xba: {  	s0 =	sor.u32 s3, s0;
	s1 =	sshll.u32 s1, $0x11  }
0xbb: {  	s0 =	sor.u32 s1, s0  }
0xbc: {  	s0 =	sadd.s32 $0x8F2B, s0  }
0xbd: {  	[sflag:s0] =	ssyncadd.remote.s32 $0x1  }
0xbe: {  	_ =	sfence.sel $0xFFFF  }
0xbf: {  	[dreg:$0x0] =	wrdreg $0xFFFFFFFF;
	(pc) =	sbr.abs _section_cstart, $3  }
0xc0: {  	[dreg:$0x1] =	wrdreg $0xFFFFFFFF  }
0xc1: {  	_ =	task.clear_ibuf [dreg:s6], $0x2FFFF;
	_ =	strace $0x9FFFFFFF  }
0xc2: {  	(tm) =	ssettm $0x7FFFFFFF  }
0xc3: {  	_ =	shalt  }
tec
execute0_lowered:
.L_overlay_start_1:
0x0: {  	(tag) =	ssettag $0x1  }
0x1: {  	s0 =	rddreg [dreg:$0x0]  }
0x2: {  	s2 =	rddreg [dreg:$0x1];
	s3 =	simm.s32 $0x0;
	s11 =	stileid.u32  }
0x3: {  	s1 =	srdreg.scid;
	s28 =	simm.s32 $0x4;
	s29 =	simm.s32 $0x3E80  }
0x4: {  	s30 =	simm.s32 $0x1;
	s31 =	simm.s32 $0x2;
	[smem:$0x7FF] =	sst s3  }
0x5: {  	s6 =	smul.u32 $0x18800, s11;
	s1 =	sand.u32 $0x1, s1;
	s4 =	sadd.s32 $0x2E00, s0  }
0x6: {  	s5 =	sadd.s32 $0xF7400, s0;
	s19 =	sshll.u32 s11, $0x6;
	s21 =	smul.u32 $0x186A0, s11  }
0x7: {  	_ =	strace $0x8000004A;
	s7 =	smul.u32 $0x188000, s1;
	s9 =	sshll.u32 s1, $0x4  }
0x8: {  	s10 =	ssub.s32 $0x2, s1;
	s1 =	smul.u32 $0x186A00, s1;
	s8 =	sshrl.u32 s6, $0x3  }
0x9: {  	s9 =	sor.u32 s11, s9;
	s17 =	sshrl.u32 s10, $0x1;
	s8 =	sadd.s32 s8, s0  }
0xa: {  	s7 =	sadd.s32 s6, s7;
	s9 =	smul.u32 $0x186A0, s9;
	s13 =	ssub.s32 s10, s17  }
0xb: {  	s6 =	sadd.s32 s6, s2;
	s24 =	sadd.s32 s21, s1;
	s21 =	simm.s32 $0x5  }
0xc: {  	s7 =	sshrl.u32 s7, $0x3;
	s18 =	sadd.s32 $0xC6400, s8;
	s13 =	smax.u32 s13, $0x1  }
0xd: {  	s1 =	sadd.s32 $0x960, s24;
	s17 =	sadd.s32 $0x30DA40, s24;
	s0 =	sadd.s32 s7, s0  }
0xe: {  	[dreg:$0x3] =	wrdreg s18;
	s20 =	sshrl.u32 s9, $0x3;
	s7 =	sor.u32 $0x1C05, s19  }
0xf: {  	s1 =	sshrl.u32 s1, $0x3;
	s9 =	sadd.s32 $0x30DD60, s24;
	s26 =	sshrl.u32 s17, $0x3  }
0x10: {  	s18 =	sadd.s32 $0x640, s24;
	s24 =	simm.s32 $0x640;
	s8 =	sadd.s32 s4, s20  }
0x11: {  	s12 =	sadd.s32 $0x159400, s0;
	s16 =	sadd.s32 s1, s4;
	s25 =	sshrl.u32 s9, $0x3  }
0x12: {  	s19 =	sadd.s32 s26, s4;
	s20 =	sshrl.u32 s6, $0x3;
	s26 =	simm.s32 $0x3B60  }
0x13: {  	s0 =	simm.s32 $0x0;
	s22 =	sadd.s32 $0x61A80, s8;
	s23 =	sadd.s32 $0x64, s8  }
0x14: {  	s11 =	sadd.s32 $0x61AE4, s8;
	s14 =	sadd.s32 $0x3070, s8;
	s15 =	sadd.s32 $0x64AF0, s8  }
0x15: {  	s17 =	sadd.s32 s25, s4;
	s25 =	simm.s32 $0x3840;
	[dreg:$0x4] =	wrdreg s22  }
0x16: {  	[dreg:$0x5] =	wrdreg s23;
	s22 =	simm.s32 $0x320;
	s23 =	simm.s32 $0x3  }
.LBB2_1:
0x17: {  	s1 =	rddreg [dreg:$0x3]  }
0x18: {  	[spmem:s20], [sflag:s7] =	dma.local [hbm:s1], $0x3100  }
0x19: {  	_ =	swait.ge [sflag:s21], $0x3100  }
0x1a: {  	[sflag:s21] =	ssyncset.done $0x0  }
0x1b: {  	[sflag:s21] =	ssyncadd.s32 $0xFFFFCF00  }
0x1c: {  	[bflag:$0x0] =	sbarrier.arrive $0xFFFF  }
0x1d: {  	[tilespmem:s3], [sflag:$0x3] =	stream.linear.gather [hbm4b:s8+s3], $0x320, $0x38;
	[tilespmem:$0x1F880] =	vst v63  }
0x1e: {  	s9 =	rddreg [dreg:$0x4]  }
0x1f: {  	[tilespmem:s22], [sflag:$0x3] =	stream.linear.gather [hbm4b:s9+s3], $0x320, $0x38;
	[tilespmem:$0x1F880] =	vst v63  }
0x20: {  	_ =	swait.ge [sflag:s23], $0x320  }
0x21: {  	[sflag:s23] =	ssyncset.done $0x0  }
0x22: {  	[sflag:s23] =	ssyncadd.s32 $0xFFFFFCE0  }
0x23: {  	_ =	swait.ge [sflag:s23], $0x320  }
0x24: {  	[sflag:s23] =	ssyncset.done $0x0  }
0x25: {  	[sflag:s23] =	ssyncadd.s32 $0xFFFFFCE0  }
0x26: {  	[tilespmem:s24], [sflag:$0x1] =	stream.indirect.gather [hbm4b:s5+s22], $0x10, s3, s22, $0xb8;
	[tilespmem:$0x1F880] =	vst v63  }
0x27: {  	s10 =	rddreg [dreg:$0x5]  }
0x28: {  	[tilespmem:s25], [sflag:$0x4] =	stream.linear.gather [hbm4b:s10+s3], $0x320, $0x38;
	[tilespmem:$0x1F880] =	vst v63  }
0x29: {  	_ = 	snop  }
0x2a: {  	[tilespmem:s26], [sflag:$0x4] =	stream.linear.gather [hbm4b:s11+s3], $0x320, $0x38;
	[tilespmem:$0x1F880] =	vst v63  }
0x2b: {  	_ =	swait.ge [sflag:s28], $0x320  }
0x2c: {  	[sflag:s28] =	ssyncset.done $0x0  }
0x2d: {  	[sflag:s28] =	ssyncadd.s32 $0xFFFFFCE0  }
0x2e: {  	_ =	swait.ge [sflag:s28], $0x320  }
0x2f: {  	[sflag:s28] =	ssyncset.done $0x0  }
0x30: {  	[sflag:s28] =	ssyncadd.s32 $0xFFFFFCE0  }
0x31: {  	[tilespmem:s29], [sflag:$0x2] =	stream.indirect.gather [hbm4b:s5+s22], $0x10, s25, s22, $0xb8;
	[tilespmem:$0x1F880] =	vst v63  }
0x32: {  	_ =	swait.ge [sflag:s30], $0x3200  }
0x33: {  	[sflag:s30] =	ssyncset.done $0x0  }
0x34: {  	[sflag:s30] =	ssyncadd.s32 $0xFFFFCE00  }
0x35: {  	[spmem:s2] =	stream.indirect.scatter.add.f32 [tilespmem:s24], [sflag:$0x5], $0x10, s22, s22, $0xb8;
	[tilespmem:$0x1F880] =	vst v63  }
0x36: {  	_ =	swait.ge [sflag:s21], $0x3200  }
0x37: {  	s6 =	sshrl.u32 s18, $0x3;
	[sflag:s21] =	ssyncset.done $0x0  }
0x38: {  	s1 =	sadd.s32 s4, s6;
	[sflag:s21] =	ssyncadd.s32 $0xFFFFCE00  }
0x39: {  	[tilespmem:s3], [sflag:$0x3] =	stream.linear.gather [hbm4b:s1+s3], $0x320, $0x38;
	[tilespmem:$0x1F880] =	vst v63  }
0x3a: {  	s9 =	sadd.s32 $0x0, s19  }
0x3b: {  	[tilespmem:s22], [sflag:$0x3] =	stream.linear.gather [hbm4b:s9+s3], $0x320, $0x38;
	[tilespmem:$0x1F880] =	vst v63  }
0x3c: {  	_ =	swait.ge [sflag:s23], $0x320  }
0x3d: {  	[sflag:s23] =	ssyncset.done $0x0  }
0x3e: {  	[sflag:s23] =	ssyncadd.s32 $0xFFFFFCE0  }
0x3f: {  	_ =	swait.ge [sflag:s23], $0x320  }
0x40: {  	[sflag:s23] =	ssyncset.done $0x0  }
0x41: {  	[sflag:s23] =	ssyncadd.s32 $0xFFFFFCE0  }
0x42: {  	[tilespmem:s24], [sflag:$0x1] =	stream.indirect.gather [hbm4b:s5+s22], $0x10, s3, s22, $0xb8;
	[tilespmem:$0x1F880] =	vst v63  }
0x43: {  	_ =	swait.ge [sflag:s31], $0x3200  }
0x44: {  	[sflag:s31] =	ssyncset.done $0x0  }
0x45: {  	[sflag:s31] =	ssyncadd.s32 $0xFFFFCE00  }
0x46: {  	[spmem:s2] =	stream.indirect.scatter.add.f32 [tilespmem:s29], [sflag:$0x5], $0x10, s26, s22, $0xb8;
	[tilespmem:$0x1F880] =	vst v63  }
0x47: {  	_ =	swait.ge [sflag:s21], $0x3200  }
0x48: {  	s6 =	sadd.s32 $0x640, s18;
	s10 =	sadd.s32 $0x0, s16;
	[sflag:s21] =	ssyncset.done $0x0  }
0x49: {  	s1 =	simm.s32 $0xC8;
	s9 =	sadd.s32 $0x0, s17;
	[sflag:s21] =	ssyncadd.s32 $0xFFFFCE00  }
0x4a: {  	[tilespmem:s25], [sflag:$0x4] =	stream.linear.gather [hbm4b:s10+s3], $0x320, $0x38;
	[tilespmem:$0x1F880] =	vst v63  }
.LBB2_2:
0x4b: {  	[tilespmem:s26], [sflag:$0x4] =	stream.linear.gather [hbm4b:s9+s3], $0x320, $0x38;
	[tilespmem:$0x1F880] =	vst v63  }
0x4c: {  	s9 =	smov.u32 s1  }
0x4d: {  	p0 =	sne.s32 s1, $0x2EE0;
	s1 =	sadd.s32 $0xC8, s1;
	_ =	swait.ge [sflag:s28], $0x320  }
0x4e: {  	[sflag:s28] =	ssyncset.done $0x0  }
0x4f: {  	[sflag:s28] =	ssyncadd.s32 $0xFFFFFCE0  }
0x50: {  	_ =	swait.ge [sflag:s28], $0x320  }
0x51: {  	[sflag:s28] =	ssyncset.done $0x0  }
0x52: {  	[sflag:s28] =	ssyncadd.s32 $0xFFFFFCE0  }
0x53: {  	[tilespmem:s29], [sflag:$0x2] =	stream.indirect.gather [hbm4b:s5+s22], $0x10, s25, s22, $0xb8;
	[tilespmem:$0x1F880] =	vst v63  }
0x54: {  	_ =	swait.ge [sflag:s30], $0x3200  }
0x55: {  	[sflag:s30] =	ssyncset.done $0x0  }
0x56: {  	[sflag:s30] =	ssyncadd.s32 $0xFFFFCE00  }
0x57: {  	[spmem:s2] =	stream.indirect.scatter.add.f32 [tilespmem:s24], [sflag:$0x5], $0x10, s22, s22, $0xb8;
	[tilespmem:$0x1F880] =	vst v63  }
0x58: {  	_ =	swait.ge [sflag:s21], $0x3200  }
0x59: {  	s10 =	sshrl.u32 s6, $0x3;
	[sflag:s21] =	ssyncset.done $0x0  }
0x5a: {  	s10 =	sadd.s32 s4, s10;
	[sflag:s21] =	ssyncadd.s32 $0xFFFFCE00  }
0x5b: {  	[tilespmem:s3], [sflag:$0x3] =	stream.linear.gather [hbm4b:s10+s3], $0x320, $0x38;
	[tilespmem:$0x1F880] =	vst v63  }
0x5c: {  	s10 =	sadd.s32 s9, s19  }
0x5d: {  	[tilespmem:s22], [sflag:$0x3] =	stream.linear.gather [hbm4b:s10+s3], $0x320, $0x38;
	[tilespmem:$0x1F880] =	vst v63  }
0x5e: {  	_ =	swait.ge [sflag:s23], $0x320  }
0x5f: {  	[sflag:s23] =	ssyncset.done $0x0  }
0x60: {  	[sflag:s23] =	ssyncadd.s32 $0xFFFFFCE0  }
0x61: {  	_ =	swait.ge [sflag:s23], $0x320  }
0x62: {  	[sflag:s23] =	ssyncset.done $0x0  }
0x63: {  	[sflag:s23] =	ssyncadd.s32 $0xFFFFFCE0  }
0x64: {  	[tilespmem:s24], [sflag:$0x1] =	stream.indirect.gather [hbm4b:s5+s22], $0x10, s3, s22, $0xb8;
	[tilespmem:$0x1F880] =	vst v63  }
0x65: {  	_ =	swait.ge [sflag:s31], $0x3200  }
0x66: {  	[sflag:s31] =	ssyncset.done $0x0  }
0x67: {  	[sflag:s31] =	ssyncadd.s32 $0xFFFFCE00  }
0x68: {  	[spmem:s2] =	stream.indirect.scatter.add.f32 [tilespmem:s29], [sflag:$0x5], $0x10, s26, s22, $0xb8;
	[tilespmem:$0x1F880] =	vst v63  }
.Ltmp0:
0x69: {  	_ =	swait.ge [sflag:s21], $0x3200;
	(pc) =	sbr.rel @p0 .LBB2_2-.Ltmp0, $4  }
0x6a: {  	[sflag:s21] =	ssyncset.done $0x0  }
0x6b: {  	s10 =	sadd.s32 s9, s16;
	[sflag:s21] =	ssyncadd.s32 $0xFFFFCE00  }
0x6c: {  	[tilespmem:s25], [sflag:$0x4] =	stream.linear.gather [hbm4b:s10+s3], $0x320, $0x38;
	[tilespmem:$0x1F880] =	vst v63  }
0x6d: {  	s6 =	sadd.s32 $0x640, s6;
	s9 =	sadd.s32 s9, s17  }
0x6e: {  	[tilespmem:s26], [sflag:$0x4] =	stream.linear.gather [hbm4b:s9+s3], $0x320, $0x38;
	[tilespmem:$0x1F880] =	vst v63  }
0x6f: {  	_ =	swait.ge [sflag:s28], $0x320  }
0x70: {  	[sflag:s28] =	ssyncset.done $0x0  }
0x71: {  	[sflag:s28] =	ssyncadd.s32 $0xFFFFFCE0  }
0x72: {  	_ =	swait.ge [sflag:s28], $0x320  }
0x73: {  	[sflag:s28] =	ssyncset.done $0x0  }
0x74: {  	[sflag:s28] =	ssyncadd.s32 $0xFFFFFCE0  }
0x75: {  	[tilespmem:s29], [sflag:$0x2] =	stream.indirect.gather [hbm4b:s5+s22], $0x10, s25, s22, $0xb8;
	[tilespmem:$0x1F880] =	vst v63  }
0x76: {  	_ =	swait.ge [sflag:s30], $0x3200  }
0x77: {  	[sflag:s30] =	ssyncset.done $0x0  }
0x78: {  	[sflag:s30] =	ssyncadd.s32 $0xFFFFCE00  }
0x79: {  	[spmem:s2] =	stream.indirect.scatter.add.f32 [tilespmem:s24], [sflag:$0x5], $0x10, s22, s22, $0xb8;
	[tilespmem:$0x1F880] =	vst v63  }
0x7a: {  	_ =	swait.ge [sflag:s21], $0x3200  }
0x7b: {  	[sflag:s21] =	ssyncset.done $0x0  }
0x7c: {  	[sflag:s21] =	ssyncadd.s32 $0xFFFFCE00  }
0x7d: {  	[tilespmem:s3], [sflag:$0x3] =	stream.linear.gather [hbm4b:s14+s3], $0x320, $0x38;
	[tilespmem:$0x1F880] =	vst v63  }
0x7e: {  	_ = 	snop  }
0x7f: {  	[tilespmem:s22], [sflag:$0x3] =	stream.linear.gather [hbm4b:s15+s3], $0x320, $0x38;
	[tilespmem:$0x1F880] =	vst v63  }
0x80: {  	_ =	swait.ge [sflag:s23], $0x320  }
0x81: {  	[sflag:s23] =	ssyncset.done $0x0  }
0x82: {  	[sflag:s23] =	ssyncadd.s32 $0xFFFFFCE0  }
0x83: {  	_ =	swait.ge [sflag:s23], $0x320  }
0x84: {  	[sflag:s23] =	ssyncset.done $0x0  }
0x85: {  	[sflag:s23] =	ssyncadd.s32 $0xFFFFFCE0  }
0x86: {  	[tilespmem:s24], [sflag:$0x1] =	stream.indirect.gather [hbm4b:s5+s22], $0x10, s3, s22, $0xb8;
	[tilespmem:$0x1F880] =	vst v63  }
0x87: {  	_ =	swait.ge [sflag:s31], $0x3200  }
0x88: {  	[sflag:s31] =	ssyncset.done $0x0  }
0x89: {  	[sflag:s31] =	ssyncadd.s32 $0xFFFFCE00  }
0x8a: {  	[spmem:s2] =	stream.indirect.scatter.add.f32 [tilespmem:s29], [sflag:$0x5], $0x10, s26, s22, $0xb8;
	[tilespmem:$0x1F880] =	vst v63  }
0x8b: {  	_ =	swait.ge [sflag:s21], $0x3200  }
0x8c: {  	[sflag:s21] =	ssyncset.done $0x0  }
0x8d: {  	[sflag:s21] =	ssyncadd.s32 $0xFFFFCE00  }
0x8e: {  	_ =	swait.ge [sflag:s30], $0x3200  }
0x8f: {  	[sflag:s30] =	ssyncset.done $0x0  }
0x90: {  	[sflag:s30] =	ssyncadd.s32 $0xFFFFCE00  }
0x91: {  	[spmem:s2] =	stream.indirect.scatter.add.f32 [tilespmem:s24], [sflag:$0x5], $0x10, s22, s22, $0xb8;
	[tilespmem:$0x1F880] =	vst v63  }
0x92: {  	_ =	swait.ge [sflag:s21], $0x3200  }
0x93: {  	s0 =	sadd.s32 $0x1, s0;
	[sflag:s21] =	ssyncset.done $0x0  }
0x94: {  	p0 =	sne.s32 s0, s13;
	[sflag:s21] =	ssyncadd.s32 $0xFFFFCE00  }
.Ltmp1:
0x95: {  	[bflag:$0x0] =	sbarrier.arrive $0xFFFF;
	(pc) =	sbr.rel @p0 .LBB2_1-.Ltmp1, $4  }
0x96: {  	[hbm:s12], [sflag:s7] =	dma.local [spmem:s20], $0x3100  }
0x97: {  	_ =	swait.ge [sflag:s21], $0x3100  }
0x98: {  	[sflag:s21] =	ssyncset.done $0x0  }
0x99: {  	[sflag:s21] =	ssyncadd.s32 $0xFFFFCF00  }
0x9a: {  	_ =	sfence.sel $0x180000  }
0x9b: {  	[bflag:$0x0] =	sbarrier.arrive $0xFFFF  }
0x9c: {  	_ =	strace $0x9000004A  }
0x9d: {  	s0 =	stileid.u32;
	[bflag:$0x2] =	sbarrier.arrive $0xFFFF  }
0x9e: {  	p0 =	sne.s32 s0, $0x0;
	s0 =	rddreg [dreg:$0x2]  }
0x9f: {  	s0 =	sadd.s32 @!p0 $0x100000, s0  }
0xa0: {  	[sflag:s0] =	ssyncadd.tile.s32 @!p0 $0x1;
	_ =	shalt  }
.Lfunc_end2:
_tile_overlayer_lowered:
.L_overlay_start_2:
0xa1: {  	(tag) =	ssettag $0x2  }
0xa2: {  	s0 =	rddreg [dreg:$0x0];
	s2 =	stileid.u32  }
0xa3: {  	s1 =	rddreg [dreg:$0x1];
	p0 =	sne.s32 s2, $0x0  }
0xa4: {  	s3 =	rddreg [dreg:$0x2];
	[bflag:$0x3] =	sbarrier.arrive $0xFFFF;
	s2 =	simm.s32 @!p0 $0x1C05  }
0xa5: {  	[timem:s3], [sflag:s2] =	dma.local @!p0 [hbm:s0], s1  }
0xa6: {  	s0 =	simm.s32 @!p0 $0x5  }
0xa7: {  	_ =	swait.ge @!p0 [sflag:s0], s1  }
0xa8: {  	s1 =	ssub.s32 @!p0 $0x0, s1;
	[sflag:s0] =	ssyncset.done @!p0 $0x0  }
0xa9: {  	[sflag:s0] =	ssyncadd.s32 @!p0 s1  }
0xaa: {  	[bflag:$0x3] =	sbarrier.arrive $0xFFFF  }
0xab: {  	_ =	shalt  }

// kernel: kernel.15.cloned.1.call-start
scs
__scs_entry_jumppad:
0x0: {  	(pc) =	sbr.rel $0x88, $3  }
0x1: {  	(tag) =	ssettag $0x0;
	lr =	simm.s32 $0x1  }
0x2: {  	[smem:$0x3F95] =	sst lr;
	_ =	strace $0xD0000000  }
0x3: {  	_ = 	snop  }
0x4: {  	_ = 	snop  }
0x5: {  	_ = 	snop  }
0x6: {  	_ = 	snop  }
0x7: {  	_ = 	snop  }
__scs_overlays_trampoline_lowered:
0x8: {  	[smem:$0x3FA4] =	sst s0  }
0x9: {  	[smem:$0x3FA5] =	sst s1  }
0xa: {  	[smem:$0x3FA6] =	sst s2  }
0xb: {  	[smem:$0x3FA7] =	sst s3  }
0xc: {  	[smem:$0x3FA8] =	sst s4  }
0xd: {  	[smem:$0x3FA9] =	sst s5  }
0xe: {  	[smem:$0x3FAA] =	sst s6  }
0xf: {  	[smem:$0x3FAB] =	sst s7  }
0x10: {  	[smem:$0x3FAC] =	sst s8  }
0x11: {  	[smem:$0x3FAD] =	sst s9;
	s0 =	simm.s32 @!p0 $0x0  }
0x12: {  	s1 =	sld [smem:$0x3F93];
	s0 =	simm.s32 @p0 $0x1  }
0x13: {  	[smem:$0x3FAE] =	sst s0;
	s0 =	simm.s32 @!p1 $0x0  }
0x14: {  	s2 =	sld [smem:$0x3F92];
	s0 =	simm.s32 @p1 $0x1  }
0x15: {  	[smem:$0x3FAF] =	sst s0;
	s0 =	simm.s32 @!p2 $0x0  }
0x16: {  	s3 =	sld [smem:$0x3FDB];
	s0 =	simm.s32 @p2 $0x1  }
0x17: {  	s4 =	simm.s32 $0x1BF5;
	[smem:$0x3FB1] =	sst s0  }
0x18: {  	s0 =	sld [smem:$0x3F94];
	_ =	swait.ge [sflag:s4], $0x0  }
0x19: {  	s7 =	sld [smem:$0x3F95]  }
0x1a: {  	s8 =	sadd.s32 $0xFFFFE003, lr  }
0x1b: {  	s9 =	sadd.s32 $0xFFFFFEF7, lr;
	s5 =	simm.s32 $0xFFFFFFFF;
	p2 =	slt.u32 s8, $0xFFFFF086  }
0x1c: {  	p1 =	slt.u32 s9, $0xF7A;
	s5 =	simm.s32 @!p2 $0x0  }
0x1d: {  	s5 =	simm.s32 @p1 $0x1;
	p0 =	seq.s32 s7, s2  }
0x1e: {  	s7 =	smul.u32 @!p0 $0xF7A, s2;
	p2 =	seq.s32 @!p0 s5, $0x0  }
0x1f: {  	s9 =	smul.u32 $0xF7A, s1;
	s8 =	simm.s32 @!p0 $0x1BF5;
	p2 =	por !p2, p0  }
0x20: {  	[sflag:s8] =	ssyncset.s32 @!p0 $0xFFFFF086;
	s6 =	sadd.s32 @!p0 s3, s7;
	s7 =	simm.s32 @!p0 $0x108  }
0x21: {  	s3 =	sadd.s32 s3, s9;
	s6 =	sadd.s32 @!p0 $0x88, s6;
	s7 =	simm.s32 @p2 $0x1082  }
0x22: {  	[simem:s7], [sflag:s8] =	dma.local @!p0 [hbm:s6], $0xF7A  }
0x23: {  	s9 =	sor.u32 $0xD0000000, s2;
	s6 =	simm.s32 $0x108;
	_ =	swait.ge @!p0 [sflag:s8], $0x0  }
0x24: {  	s3 =	sadd.s32 $0x88, s3;
	s6 =	simm.s32 @!p1 $0x1082;
	[sflag:s4] =	ssyncset.s32 $0xFFFFF086  }
0x25: {  	[simem:s6], [sflag:s4] =	dma.local [hbm:s3], $0xF7A  }
0x26: {  	[smem:$0x3F95] =	sst s1;
	(tag) =	ssettag s2;
	_ =	strace s9  }
0x27: {  	s1 =	sld [smem:$0x3FA5]  }
0x28: {  	s2 =	sld [smem:$0x3FA6]  }
0x29: {  	s4 =	sld [smem:$0x3FA8]  }
0x2a: {  	p0 =	seq.s32 s5, $0x0;
	s5 =	sld [smem:$0x3FA9]  }
0x2b: {  	s6 =	sld [smem:$0x3FAA]  }
0x2c: {  	s7 =	sld [smem:$0x3FAB]  }
0x2d: {  	s3 =	simm.s32 $0x108;
	s8 =	sld [smem:$0x3FAC]  }
0x2e: {  	s3 =	simm.s32 @!p0 $0x1082;
	s9 =	sld [smem:$0x3FAD]  }
0x2f: {  	lr =	sadd.s32 s0, s3;
	s0 =	sld [smem:$0x3FA4]  }
0x30: {  	s3 =	sld [smem:$0x3FA7]  }
0x31: {  	[smem:$0x3FB0] =	sst s10  }
0x32: {  	s10 =	sld [smem:$0x3FAE];
	_ =	sdelay $0x3  }
0x33: {  	p0 =	seq.s32 s10, $0x1;
	s10 =	sld [smem:$0x3FB0];
	_ =	sdelay $0x3  }
0x34: {  	[smem:$0x3FB0] =	sst s10  }
0x35: {  	s10 =	sld [smem:$0x3FAF];
	_ =	sdelay $0x3  }
0x36: {  	p1 =	seq.s32 s10, $0x1;
	s10 =	sld [smem:$0x3FB0];
	_ =	sdelay $0x3  }
0x37: {  	[smem:$0x3FB0] =	sst s10  }
0x38: {  	s10 =	sld [smem:$0x3FB1]  }
0x39: {  	_ = 	snop;
	(pc) =	sbr.ind lr, $3  }
0x3a: {  	_ = 	snop  }
0x3b: {  	_ = 	snop  }
0x3c: {  	p2 =	seq.s32 s10, $0x1;
	s10 =	sld [smem:$0x3FB0]  }
0x3d: {  	_ =	shalt  }
0x3e: {  	_ =	shalt  }
0x3f: {  	_ =	shalt  }
0x40: {  	_ =	shalt  }
0x41: {  	_ =	shalt  }
0x42: {  	_ =	shalt  }
0x43: {  	_ =	shalt  }
0x44: {  	_ =	shalt  }
0x45: {  	_ =	shalt  }
0x46: {  	_ =	shalt  }
0x47: {  	_ =	shalt  }
0x48: {  	_ =	shalt  }
0x49: {  	_ =	shalt  }
0x4a: {  	_ =	shalt  }
0x4b: {  	_ =	shalt  }
0x4c: {  	_ =	shalt  }
0x4d: {  	_ =	shalt  }
0x4e: {  	_ =	shalt  }
0x4f: {  	_ =	shalt  }
0x50: {  	_ =	shalt  }
0x51: {  	_ =	shalt  }
0x52: {  	_ =	shalt  }
0x53: {  	_ =	shalt  }
0x54: {  	_ =	shalt  }
0x55: {  	_ =	shalt  }
0x56: {  	_ =	shalt  }
0x57: {  	_ =	shalt  }
0x58: {  	_ =	shalt  }
0x59: {  	_ =	shalt  }
0x5a: {  	_ =	shalt  }
0x5b: {  	_ =	shalt  }
0x5c: {  	_ =	shalt  }
0x5d: {  	_ =	shalt  }
0x5e: {  	_ =	shalt  }
0x5f: {  	_ =	shalt  }
0x60: {  	_ =	shalt  }
0x61: {  	_ =	shalt  }
0x62: {  	_ =	shalt  }
0x63: {  	_ =	shalt  }
0x64: {  	_ =	shalt  }
0x65: {  	_ =	shalt  }
0x66: {  	_ =	shalt  }
0x67: {  	_ =	shalt  }
0x68: {  	_ =	shalt  }
0x69: {  	_ =	shalt  }
0x6a: {  	_ =	shalt  }
0x6b: {  	_ =	shalt  }
0x6c: {  	_ =	shalt  }
0x6d: {  	_ =	shalt  }
0x6e: {  	_ =	shalt  }
0x6f: {  	_ =	shalt  }
0x70: {  	_ =	shalt  }
0x71: {  	_ =	shalt  }
0x72: {  	_ =	shalt  }
0x73: {  	_ =	shalt  }
0x74: {  	_ =	shalt  }
0x75: {  	_ =	shalt  }
0x76: {  	_ =	shalt  }
0x77: {  	_ =	shalt  }
0x78: {  	_ =	shalt  }
0x79: {  	_ =	shalt  }
0x7a: {  	_ =	shalt  }
0x7b: {  	_ =	shalt  }
0x7c: {  	_ =	shalt  }
0x7d: {  	_ =	shalt  }
0x7e: {  	_ =	shalt  }
0x7f: {  	_ =	shalt  }
0x80: {  	_ =	shalt  }
0x81: {  	_ =	shalt  }
0x82: {  	_ =	shalt  }
0x83: {  	_ =	shalt  }
0x84: {  	_ =	shalt  }
0x85: {  	_ =	shalt  }
0x86: {  	_ =	shalt  }
0x87: {  	_ =	shalt  }
.Lfunc_end0:
.L_simem_size_0:
called_computation.2_lowered:
.L_overlay_start_0:
0x88: {  	s2 =	sld [smem:$0x3FD9]  }
0x89: {  	s3 =	sld [smem:$0x3FFE];
	_ =	sdelay $0x1  }
0x8a: {  	s1 =	srdreg.scid  }
0x8b: {  	s0 =	sand.u32 $0x1, s1  }
0x8c: {  	s16 =	sshll.u32 s0, $0xA;
	s2 =	sadd.s32 s3, s2  }
0x8d: {  	s2 =	sadd.s32 s2, s16  }
0x8e: {  	[smem:$0x3FBC] =	sst s2  }
0x8f: {  	_ = 	snop  }
0x90: {  	(tm) =	ssettm $0x1  }
0x91: {  	s17 =	sld [smem:$0x3FFB];
	_ =	sdelay $0x3  }
0x92: {  	_ =	strace s17  }
0x93: {  	s2 =	sld [smem:$0x3FFC];
	_ =	sdelay $0x3  }
0x94: {  	_ =	strace s2  }
0x95: {  	s2 =	sld [smem:$0x3FFD];
	_ =	sdelay $0x3  }
0x96: {  	_ =	strace s2  }
0x97: {  	_ =	strace $0x8FFFFFFF  }
0x98: {  	s18 =	sld [smem:$0x3FDB];
	_ =	sdelay $0x1  }
0x99: {  	s19 =	simm.s32 $_scs_section_size  }
0x9a: {  	s4 =	simm.s32 $_size__tile_overlayer_lowered;
	s5 =	simm.s32 $_tile_overlayer_lowered  }
0x9b: {  	s22 =	simm.s32 $0x1BFF;
	s21 =	sshll.u32 s5, $0x1;
	s2 =	sadd.s32 s19, s18  }
0x9c: {  	s6 =	simm.s32 $0x0;
	s20 =	sshll.u32 s4, $0x1;
	s4 =	sadd.s32 s21, s2  }
0x9d: {  	[timem:s6], [sflag:s22] =	dma.local [hbm:s4], s20  }
0x9e: {  	_ =	swait.ge [sflag:s22], s20  }
0x9f: {  	s3 =	ssub.s32 $0x0, s20;
	[sflag:s22] =	ssyncset.done $0x0  }
0xa0: {  	[sflag:s22] =	ssyncadd.s32 s3;
	_ =	sdelay $0x1  }
0xa1: {  	s23 =	simm.s32 $0x1B8B  }
0xa2: {  	_ =	swait.ge [sflag:s23], $0x1  }
0xa3: {  	[sflag:s23] =	ssyncset.done $0x0  }
0xa4: {  	s25 =	simm.s32 $0x1B8E;
	s24 =	sld [smem:$0x3FFE];
	[sflag:s23] =	ssyncadd.s32 $0xFFFFFFFF  }
0xa5: {  	s26 =	simm.s32 $execute0_lowered;
	[smem:$0x3FD2] =	sst s25  }
0xa6: {  	s4 =	sshll.u32 s26, $0x1;
	_ =	strace $0x8000004C;
	[dreg:$0x1] =	wrdreg $0xFFFFFFFF  }
0xa7: {  	s28 =	simm.s32 $_size_execute0_lowered;
	s2 =	sadd.s32 s2, s4;
	[dreg:$0x0] =	wrdreg $0x0  }
0xa8: {  	s4 =	sshll.u32 s28, $0x1;
	[dreg:$0x2] =	wrdreg s2  }
0xa9: {  	[dreg:$0x3] =	wrdreg s4  }
0xaa: {  	[dreg:$0x4] =	wrdreg $0xC0  }
0xab: {  	_ =	task [dreg:s6], $0x5FFFF  }
0xac: {  	[dreg:$0x1] =	wrdreg $0xFFFFFFFF  }
0xad: {  	[dreg:$0x0] =	wrdreg $0x60  }
0xae: {  	[dreg:$0x2] =	wrdreg s24  }
0xaf: {  	[dreg:$0x3] =	wrdreg $0x70800  }
0xb0: {  	[dreg:$0x4] =	wrdreg $0x9  }
0xb1: {  	_ =	task.clear_ibuf [dreg:s6], $0x5FFFF;
	_ =	strace $0x9000004C  }
0xb2: {  	s29 =	simm.s32 $0x9;
	_ =	strace $0x8000004E  }
0xb3: {  	_ =	swait.ge [sflag:s29], $0x1  }
0xb4: {  	[sflag:s29] =	ssyncadd.s32 $0xFFFFFFFF  }
0xb5: {  	_ =	strace $0x9000004E  }
0xb6: {  	_ =	sfence  }
0xb7: {  	s30 =	sld [smem:$0x0];
	_ =	sdelay $0x2  }
0xb8: {  	s31 =	sshll.u32 s1, $0xD;
	s1 =	sshrl.u32 s1, $0x2  }
0xb9: {  	s3 =	sand.u32 $0x4000, s31;
	s1 =	sadd.s32 s1, s30  }
0xba: {  	s0 =	sor.u32 s3, s0;
	s1 =	sshll.u32 s1, $0x11  }
0xbb: {  	s0 =	sor.u32 s1, s0  }
0xbc: {  	s0 =	sadd.s32 $0x8F2B, s0  }
0xbd: {  	[sflag:s0] =	ssyncadd.remote.s32 $0x1  }
0xbe: {  	_ =	sfence.sel $0xFFFF  }
0xbf: {  	[dreg:$0x0] =	wrdreg $0xFFFFFFFF;
	(pc) =	sbr.abs _section_cstart, $3  }
0xc0: {  	[dreg:$0x1] =	wrdreg $0xFFFFFFFF  }
0xc1: {  	_ =	task.clear_ibuf [dreg:s6], $0x2FFFF;
	_ =	strace $0x9FFFFFFF  }
0xc2: {  	(tm) =	ssettm $0x7FFFFFFF  }
0xc3: {  	_ =	shalt  }
tec
execute0_lowered:
.L_overlay_start_1:
0x0: {  	(tag) =	ssettag $0x1  }
0x1: {  	s0 =	rddreg [dreg:$0x0]  }
0x2: {  	s2 =	rddreg [dreg:$0x1];
	s3 =	simm.s32 $0x0;
	s11 =	stileid.u32  }
0x3: {  	s1 =	srdreg.scid;
	s28 =	simm.s32 $0x4;
	s29 =	simm.s32 $0x3E80  }
0x4: {  	s30 =	simm.s32 $0x1;
	s31 =	simm.s32 $0x2;
	[smem:$0x7FF] =	sst s3  }
0x5: {  	s6 =	smul.u32 $0x18800, s11;
	s1 =	sand.u32 $0x1, s1;
	s4 =	sadd.s32 $0x2E00, s0  }
0x6: {  	s5 =	sadd.s32 $0xF7400, s0;
	s19 =	sshll.u32 s11, $0x6;
	s21 =	smul.u32 $0x186A0, s11  }
0x7: {  	_ =	strace $0x8000004D;
	s7 =	smul.u32 $0x188000, s1;
	s9 =	sshll.u32 s1, $0x4  }
0x8: {  	s10 =	ssub.s32 $0x2, s1;
	s1 =	smul.u32 $0x186A00, s1;
	s8 =	sshrl.u32 s6, $0x3  }
0x9: {  	s9 =	sor.u32 s11, s9;
	s17 =	sshrl.u32 s10, $0x1;
	s8 =	sadd.s32 s8, s0  }
0xa: {  	s7 =	sadd.s32 s6, s7;
	s9 =	smul.u32 $0x186A0, s9;
	s13 =	ssub.s32 s10, s17  }
0xb: {  	s6 =	sadd.s32 s6, s2;
	s24 =	sadd.s32 s21, s1;
	s21 =	simm.s32 $0x5  }
0xc: {  	s7 =	sshrl.u32 s7, $0x3;
	s18 =	sadd.s32 $0xC6400, s8;
	s13 =	smax.u32 s13, $0x1  }
0xd: {  	s1 =	sadd.s32 $0x960, s24;
	s17 =	sadd.s32 $0x30DA40, s24;
	s0 =	sadd.s32 s7, s0  }
0xe: {  	[dreg:$0x3] =	wrdreg s18;
	s20 =	sshrl.u32 s9, $0x3;
	s7 =	sor.u32 $0x1C05, s19  }
0xf: {  	s1 =	sshrl.u32 s1, $0x3;
	s9 =	sadd.s32 $0x30DD60, s24;
	s26 =	sshrl.u32 s17, $0x3  }
0x10: {  	s18 =	sadd.s32 $0x640, s24;
	s24 =	simm.s32 $0x640;
	s8 =	sadd.s32 s4, s20  }
0x11: {  	s12 =	sadd.s32 $0x159400, s0;
	s16 =	sadd.s32 s1, s4;
	s25 =	sshrl.u32 s9, $0x3  }
0x12: {  	s19 =	sadd.s32 s26, s4;
	s20 =	sshrl.u32 s6, $0x3;
	s26 =	simm.s32 $0x3B60  }
0x13: {  	s0 =	simm.s32 $0x0;
	s22 =	sadd.s32 $0x61A80, s8;
	s23 =	sadd.s32 $0x64, s8  }
0x14: {  	s11 =	sadd.s32 $0x61AE4, s8;
	s14 =	sadd.s32 $0x3070, s8;
	s15 =	sadd.s32 $0x64AF0, s8  }
0x15: {  	s17 =	sadd.s32 s25, s4;
	s25 =	simm.s32 $0x3840;
	[dreg:$0x4] =	wrdreg s22  }
0x16: {  	[dreg:$0x5] =	wrdreg s23;
	s22 =	simm.s32 $0x320;
	s23 =	simm.s32 $0x3  }
.LBB2_1:
0x17: {  	s1 =	rddreg [dreg:$0x3]  }
0x18: {  	[spmem:s20], [sflag:s7] =	dma.local [hbm:s1], $0x3100  }
0x19: {  	_ =	swait.ge [sflag:s21], $0x3100  }
0x1a: {  	[sflag:s21] =	ssyncset.done $0x0  }
0x1b: {  	[sflag:s21] =	ssyncadd.s32 $0xFFFFCF00  }
0x1c: {  	[bflag:$0x0] =	sbarrier.arrive $0xFFFF  }
0x1d: {  	[tilespmem:s3], [sflag:$0x3] =	stream.linear.gather [hbm4b:s8+s3], $0x320, $0x38;
	[tilespmem:$0x1F880] =	vst v63  }
0x1e: {  	s9 =	rddreg [dreg:$0x4]  }
0x1f: {  	[tilespmem:s22], [sflag:$0x3] =	stream.linear.gather [hbm4b:s9+s3], $0x320, $0x38;
	[tilespmem:$0x1F880] =	vst v63  }
0x20: {  	_ =	swait.ge [sflag:s23], $0x320  }
0x21: {  	[sflag:s23] =	ssyncset.done $0x0  }
0x22: {  	[sflag:s23] =	ssyncadd.s32 $0xFFFFFCE0  }
0x23: {  	_ =	swait.ge [sflag:s23], $0x320  }
0x24: {  	[sflag:s23] =	ssyncset.done $0x0  }
0x25: {  	[sflag:s23] =	ssyncadd.s32 $0xFFFFFCE0  }
0x26: {  	[tilespmem:s24], [sflag:$0x1] =	stream.indirect.gather [hbm4b:s5+s22], $0x10, s3, s22, $0xb8;
	[tilespmem:$0x1F880] =	vst v63  }
0x27: {  	s10 =	rddreg [dreg:$0x5]  }
0x28: {  	[tilespmem:s25], [sflag:$0x4] =	stream.linear.gather [hbm4b:s10+s3], $0x320, $0x38;
	[tilespmem:$0x1F880] =	vst v63  }
0x29: {  	_ = 	snop  }
0x2a: {  	[tilespmem:s26], [sflag:$0x4] =	stream.linear.gather [hbm4b:s11+s3], $0x320, $0x38;
	[tilespmem:$0x1F880] =	vst v63  }
0x2b: {  	_ =	swait.ge [sflag:s28], $0x320  }
0x2c: {  	[sflag:s28] =	ssyncset.done $0x0  }
0x2d: {  	[sflag:s28] =	ssyncadd.s32 $0xFFFFFCE0  }
0x2e: {  	_ =	swait.ge [sflag:s28], $0x320  }
0x2f: {  	[sflag:s28] =	ssyncset.done $0x0  }
0x30: {  	[sflag:s28] =	ssyncadd.s32 $0xFFFFFCE0  }
0x31: {  	[tilespmem:s29], [sflag:$0x2] =	stream.indirect.gather [hbm4b:s5+s22], $0x10, s25, s22, $0xb8;
	[tilespmem:$0x1F880] =	vst v63  }
0x32: {  	_ =	swait.ge [sflag:s30], $0x3200  }
0x33: {  	[sflag:s30] =	ssyncset.done $0x0  }
0x34: {  	[sflag:s30] =	ssyncadd.s32 $0xFFFFCE00  }
0x35: {  	[spmem:s2] =	stream.indirect.scatter.add.f32 [tilespmem:s24], [sflag:$0x5], $0x10, s22, s22, $0xb8;
	[tilespmem:$0x1F880] =	vst v63  }
0x36: {  	_ =	swait.ge [sflag:s21], $0x3200  }
0x37: {  	s6 =	sshrl.u32 s18, $0x3;
	[sflag:s21] =	ssyncset.done $0x0  }
0x38: {  	s1 =	sadd.s32 s4, s6;
	[sflag:s21] =	ssyncadd.s32 $0xFFFFCE00  }
0x39: {  	[tilespmem:s3], [sflag:$0x3] =	stream.linear.gather [hbm4b:s1+s3], $0x320, $0x38;
	[tilespmem:$0x1F880] =	vst v63  }
0x3a: {  	s9 =	sadd.s32 $0x0, s19  }
0x3b: {  	[tilespmem:s22], [sflag:$0x3] =	stream.linear.gather [hbm4b:s9+s3], $0x320, $0x38;
	[tilespmem:$0x1F880] =	vst v63  }
0x3c: {  	_ =	swait.ge [sflag:s23], $0x320  }
0x3d: {  	[sflag:s23] =	ssyncset.done $0x0  }
0x3e: {  	[sflag:s23] =	ssyncadd.s32 $0xFFFFFCE0  }
0x3f: {  	_ =	swait.ge [sflag:s23], $0x320  }
0x40: {  	[sflag:s23] =	ssyncset.done $0x0  }
0x41: {  	[sflag:s23] =	ssyncadd.s32 $0xFFFFFCE0  }
0x42: {  	[tilespmem:s24], [sflag:$0x1] =	stream.indirect.gather [hbm4b:s5+s22], $0x10, s3, s22, $0xb8;
	[tilespmem:$0x1F880] =	vst v63  }
0x43: {  	_ =	swait.ge [sflag:s31], $0x3200  }
0x44: {  	[sflag:s31] =	ssyncset.done $0x0  }
0x45: {  	[sflag:s31] =	ssyncadd.s32 $0xFFFFCE00  }
0x46: {  	[spmem:s2] =	stream.indirect.scatter.add.f32 [tilespmem:s29], [sflag:$0x5], $0x10, s26, s22, $0xb8;
	[tilespmem:$0x1F880] =	vst v63  }
0x47: {  	_ =	swait.ge [sflag:s21], $0x3200  }
0x48: {  	s6 =	sadd.s32 $0x640, s18;
	s10 =	sadd.s32 $0x0, s16;
	[sflag:s21] =	ssyncset.done $0x0  }
0x49: {  	s1 =	simm.s32 $0xC8;
	s9 =	sadd.s32 $0x0, s17;
	[sflag:s21] =	ssyncadd.s32 $0xFFFFCE00  }
0x4a: {  	[tilespmem:s25], [sflag:$0x4] =	stream.linear.gather [hbm4b:s10+s3], $0x320, $0x38;
	[tilespmem:$0x1F880] =	vst v63  }
.LBB2_2:
0x4b: {  	[tilespmem:s26], [sflag:$0x4] =	stream.linear.gather [hbm4b:s9+s3], $0x320, $0x38;
	[tilespmem:$0x1F880] =	vst v63  }
0x4c: {  	s9 =	smov.u32 s1  }
0x4d: {  	p0 =	sne.s32 s1, $0x2EE0;
	s1 =	sadd.s32 $0xC8, s1;
	_ =	swait.ge [sflag:s28], $0x320  }
0x4e: {  	[sflag:s28] =	ssyncset.done $0x0  }
0x4f: {  	[sflag:s28] =	ssyncadd.s32 $0xFFFFFCE0  }
0x50: {  	_ =	swait.ge [sflag:s28], $0x320  }
0x51: {  	[sflag:s28] =	ssyncset.done $0x0  }
0x52: {  	[sflag:s28] =	ssyncadd.s32 $0xFFFFFCE0  }
0x53: {  	[tilespmem:s29], [sflag:$0x2] =	stream.indirect.gather [hbm4b:s5+s22], $0x10, s25, s22, $0xb8;
	[tilespmem:$0x1F880] =	vst v63  }
0x54: {  	_ =	swait.ge [sflag:s30], $0x3200  }
0x55: {  	[sflag:s30] =	ssyncset.done $0x0  }
0x56: {  	[sflag:s30] =	ssyncadd.s32 $0xFFFFCE00  }
0x57: {  	[spmem:s2] =	stream.indirect.scatter.add.f32 [tilespmem:s24], [sflag:$0x5], $0x10, s22, s22, $0xb8;
	[tilespmem:$0x1F880] =	vst v63  }
0x58: {  	_ =	swait.ge [sflag:s21], $0x3200  }
0x59: {  	s10 =	sshrl.u32 s6, $0x3;
	[sflag:s21] =	ssyncset.done $0x0  }
0x5a: {  	s10 =	sadd.s32 s4, s10;
	[sflag:s21] =	ssyncadd.s32 $0xFFFFCE00  }
0x5b: {  	[tilespmem:s3], [sflag:$0x3] =	stream.linear.gather [hbm4b:s10+s3], $0x320, $0x38;
	[tilespmem:$0x1F880] =	vst v63  }
0x5c: {  	s10 =	sadd.s32 s9, s19  }
0x5d: {  	[tilespmem:s22], [sflag:$0x3] =	stream.linear.gather [hbm4b:s10+s3], $0x320, $0x38;
	[tilespmem:$0x1F880] =	vst v63  }
0x5e: {  	_ =	swait.ge [sflag:s23], $0x320  }
0x5f: {  	[sflag:s23] =	ssyncset.done $0x0  }
0x60: {  	[sflag:s23] =	ssyncadd.s32 $0xFFFFFCE0  }
0x61: {  	_ =	swait.ge [sflag:s23], $0x320  }
0x62: {  	[sflag:s23] =	ssyncset.done $0x0  }
0x63: {  	[sflag:s23] =	ssyncadd.s32 $0xFFFFFCE0  }
0x64: {  	[tilespmem:s24], [sflag:$0x1] =	stream.indirect.gather [hbm4b:s5+s22], $0x10, s3, s22, $0xb8;
	[tilespmem:$0x1F880] =	vst v63  }
0x65: {  	_ =	swait.ge [sflag:s31], $0x3200  }
0x66: {  	[sflag:s31] =	ssyncset.done $0x0  }
0x67: {  	[sflag:s31] =	ssyncadd.s32 $0xFFFFCE00  }
0x68: {  	[spmem:s2] =	stream.indirect.scatter.add.f32 [tilespmem:s29], [sflag:$0x5], $0x10, s26, s22, $0xb8;
	[tilespmem:$0x1F880] =	vst v63  }
.Ltmp0:
0x69: {  	_ =	swait.ge [sflag:s21], $0x3200;
	(pc) =	sbr.rel @p0 .LBB2_2-.Ltmp0, $4  }
0x6a: {  	[sflag:s21] =	ssyncset.done $0x0  }
0x6b: {  	s10 =	sadd.s32 s9, s16;
	[sflag:s21] =	ssyncadd.s32 $0xFFFFCE00  }
0x6c: {  	[tilespmem:s25], [sflag:$0x4] =	stream.linear.gather [hbm4b:s10+s3], $0x320, $0x38;
	[tilespmem:$0x1F880] =	vst v63  }
0x6d: {  	s6 =	sadd.s32 $0x640, s6;
	s9 =	sadd.s32 s9, s17  }
0x6e: {  	[tilespmem:s26], [sflag:$0x4] =	stream.linear.gather [hbm4b:s9+s3], $0x320, $0x38;
	[tilespmem:$0x1F880] =	vst v63  }
0x6f: {  	_ =	swait.ge [sflag:s28], $0x320  }
0x70: {  	[sflag:s28] =	ssyncset.done $0x0  }
0x71: {  	[sflag:s28] =	ssyncadd.s32 $0xFFFFFCE0  }
0x72: {  	_ =	swait.ge [sflag:s28], $0x320  }
0x73: {  	[sflag:s28] =	ssyncset.done $0x0  }
0x74: {  	[sflag:s28] =	ssyncadd.s32 $0xFFFFFCE0  }
0x75: {  	[tilespmem:s29], [sflag:$0x2] =	stream.indirect.gather [hbm4b:s5+s22], $0x10, s25, s22, $0xb8;
	[tilespmem:$0x1F880] =	vst v63  }
0x76: {  	_ =	swait.ge [sflag:s30], $0x3200  }
0x77: {  	[sflag:s30] =	ssyncset.done $0x0  }
0x78: {  	[sflag:s30] =	ssyncadd.s32 $0xFFFFCE00  }
0x79: {  	[spmem:s2] =	stream.indirect.scatter.add.f32 [tilespmem:s24], [sflag:$0x5], $0x10, s22, s22, $0xb8;
	[tilespmem:$0x1F880] =	vst v63  }
0x7a: {  	_ =	swait.ge [sflag:s21], $0x3200  }
0x7b: {  	[sflag:s21] =	ssyncset.done $0x0  }
0x7c: {  	[sflag:s21] =	ssyncadd.s32 $0xFFFFCE00  }
0x7d: {  	[tilespmem:s3], [sflag:$0x3] =	stream.linear.gather [hbm4b:s14+s3], $0x320, $0x38;
	[tilespmem:$0x1F880] =	vst v63  }
0x7e: {  	_ = 	snop  }
0x7f: {  	[tilespmem:s22], [sflag:$0x3] =	stream.linear.gather [hbm4b:s15+s3], $0x320, $0x38;
	[tilespmem:$0x1F880] =	vst v63  }
0x80: {  	_ =	swait.ge [sflag:s23], $0x320  }
0x81: {  	[sflag:s23] =	ssyncset.done $0x0  }
0x82: {  	[sflag:s23] =	ssyncadd.s32 $0xFFFFFCE0  }
0x83: {  	_ =	swait.ge [sflag:s23], $0x320  }
0x84: {  	[sflag:s23] =	ssyncset.done $0x0  }
0x85: {  	[sflag:s23] =	ssyncadd.s32 $0xFFFFFCE0  }
0x86: {  	[tilespmem:s24], [sflag:$0x1] =	stream.indirect.gather [hbm4b:s5+s22], $0x10, s3, s22, $0xb8;
	[tilespmem:$0x1F880] =	vst v63  }
0x87: {  	_ =	swait.ge [sflag:s31], $0x3200  }
0x88: {  	[sflag:s31] =	ssyncset.done $0x0  }
0x89: {  	[sflag:s31] =	ssyncadd.s32 $0xFFFFCE00  }
0x8a: {  	[spmem:s2] =	stream.indirect.scatter.add.f32 [tilespmem:s29], [sflag:$0x5], $0x10, s26, s22, $0xb8;
	[tilespmem:$0x1F880] =	vst v63  }
0x8b: {  	_ =	swait.ge [sflag:s21], $0x3200  }
0x8c: {  	[sflag:s21] =	ssyncset.done $0x0  }
0x8d: {  	[sflag:s21] =	ssyncadd.s32 $0xFFFFCE00  }
0x8e: {  	_ =	swait.ge [sflag:s30], $0x3200  }
0x8f: {  	[sflag:s30] =	ssyncset.done $0x0  }
0x90: {  	[sflag:s30] =	ssyncadd.s32 $0xFFFFCE00  }
0x91: {  	[spmem:s2] =	stream.indirect.scatter.add.f32 [tilespmem:s24], [sflag:$0x5], $0x10, s22, s22, $0xb8;
	[tilespmem:$0x1F880] =	vst v63  }
0x92: {  	_ =	swait.ge [sflag:s21], $0x3200  }
0x93: {  	s0 =	sadd.s32 $0x1, s0;
	[sflag:s21] =	ssyncset.done $0x0  }
0x94: {  	p0 =	sne.s32 s0, s13;
	[sflag:s21] =	ssyncadd.s32 $0xFFFFCE00  }
.Ltmp1:
0x95: {  	[bflag:$0x0] =	sbarrier.arrive $0xFFFF;
	(pc) =	sbr.rel @p0 .LBB2_1-.Ltmp1, $4  }
0x96: {  	[hbm:s12], [sflag:s7] =	dma.local [spmem:s20], $0x3100  }
0x97: {  	_ =	swait.ge [sflag:s21], $0x3100  }
0x98: {  	[sflag:s21] =	ssyncset.done $0x0  }
0x99: {  	[sflag:s21] =	ssyncadd.s32 $0xFFFFCF00  }
0x9a: {  	_ =	sfence.sel $0x180000  }
0x9b: {  	[bflag:$0x0] =	sbarrier.arrive $0xFFFF  }
0x9c: {  	_ =	strace $0x9000004D  }
0x9d: {  	s0 =	stileid.u32;
	[bflag:$0x2] =	sbarrier.arrive $0xFFFF  }
0x9e: {  	p0 =	sne.s32 s0, $0x0;
	s0 =	rddreg [dreg:$0x2]  }
0x9f: {  	s0 =	sadd.s32 @!p0 $0x100000, s0  }
0xa0: {  	[sflag:s0] =	ssyncadd.tile.s32 @!p0 $0x1;
	_ =	shalt  }
.Lfunc_end2:
_tile_overlayer_lowered:
.L_overlay_start_2:
0xa1: {  	(tag) =	ssettag $0x2  }
0xa2: {  	s0 =	rddreg [dreg:$0x0];
	s2 =	stileid.u32  }
0xa3: {  	s1 =	rddreg [dreg:$0x1];
	p0 =	sne.s32 s2, $0x0  }
0xa4: {  	s3 =	rddreg [dreg:$0x2];
	[bflag:$0x3] =	sbarrier.arrive $0xFFFF;
	s2 =	simm.s32 @!p0 $0x1C05  }
0xa5: {  	[timem:s3], [sflag:s2] =	dma.local @!p0 [hbm:s0], s1  }
0xa6: {  	s0 =	simm.s32 @!p0 $0x5  }
0xa7: {  	_ =	swait.ge @!p0 [sflag:s0], s1  }
0xa8: {  	s1 =	ssub.s32 @!p0 $0x0, s1;
	[sflag:s0] =	ssyncset.done @!p0 $0x0  }
0xa9: {  	[sflag:s0] =	ssyncadd.s32 @!p0 s1  }
0xaa: {  	[bflag:$0x3] =	sbarrier.arrive $0xFFFF  }
0xab: {  	_ =	shalt  }

// kernel: kernel.9.cloned.1.call-start
scs
__scs_entry_jumppad:
0x0: {  	(pc) =	sbr.rel $0x88, $3  }
0x1: {  	(tag) =	ssettag $0x0;
	lr =	simm.s32 $0x1  }
0x2: {  	[smem:$0x3F95] =	sst lr;
	_ =	strace $0xD0000000  }
0x3: {  	_ = 	snop  }
0x4: {  	_ = 	snop  }
0x5: {  	_ = 	snop  }
0x6: {  	_ = 	snop  }
0x7: {  	_ = 	snop  }
__scs_overlays_trampoline_lowered:
0x8: {  	[smem:$0x3FA4] =	sst s0  }
0x9: {  	[smem:$0x3FA5] =	sst s1  }
0xa: {  	[smem:$0x3FA6] =	sst s2  }
0xb: {  	[smem:$0x3FA7] =	sst s3  }
0xc: {  	[smem:$0x3FA8] =	sst s4  }
0xd: {  	[smem:$0x3FA9] =	sst s5  }
0xe: {  	[smem:$0x3FAA] =	sst s6  }
0xf: {  	[smem:$0x3FAB] =	sst s7  }
0x10: {  	[smem:$0x3FAC] =	sst s8  }
0x11: {  	[smem:$0x3FAD] =	sst s9;
	s0 =	simm.s32 @!p0 $0x0  }
0x12: {  	s1 =	sld [smem:$0x3F93];
	s0 =	simm.s32 @p0 $0x1  }
0x13: {  	[smem:$0x3FAE] =	sst s0;
	s0 =	simm.s32 @!p1 $0x0  }
0x14: {  	s2 =	sld [smem:$0x3F92];
	s0 =	simm.s32 @p1 $0x1  }
0x15: {  	[smem:$0x3FAF] =	sst s0;
	s0 =	simm.s32 @!p2 $0x0  }
0x16: {  	s3 =	sld [smem:$0x3FDB];
	s0 =	simm.s32 @p2 $0x1  }
0x17: {  	s4 =	simm.s32 $0x1BF5;
	[smem:$0x3FB1] =	sst s0  }
0x18: {  	s0 =	sld [smem:$0x3F94];
	_ =	swait.ge [sflag:s4], $0x0  }
0x19: {  	s7 =	sld [smem:$0x3F95]  }
0x1a: {  	s8 =	sadd.s32 $0xFFFFE003, lr  }
0x1b: {  	s9 =	sadd.s32 $0xFFFFFEF7, lr;
	s5 =	simm.s32 $0xFFFFFFFF;
	p2 =	slt.u32 s8, $0xFFFFF086  }
0x1c: {  	p1 =	slt.u32 s9, $0xF7A;
	s5 =	simm.s32 @!p2 $0x0  }
0x1d: {  	s5 =	simm.s32 @p1 $0x1;
	p0 =	seq.s32 s7, s2  }
0x1e: {  	s7 =	smul.u32 @!p0 $0xF7A, s2;
	p2 =	seq.s32 @!p0 s5, $0x0  }
0x1f: {  	s9 =	smul.u32 $0xF7A, s1;
	s8 =	simm.s32 @!p0 $0x1BF5;
	p2 =	por !p2, p0  }
0x20: {  	[sflag:s8] =	ssyncset.s32 @!p0 $0xFFFFF086;
	s6 =	sadd.s32 @!p0 s3, s7;
	s7 =	simm.s32 @!p0 $0x108  }
0x21: {  	s3 =	sadd.s32 s3, s9;
	s6 =	sadd.s32 @!p0 $0x88, s6;
	s7 =	simm.s32 @p2 $0x1082  }
0x22: {  	[simem:s7], [sflag:s8] =	dma.local @!p0 [hbm:s6], $0xF7A  }
0x23: {  	s9 =	sor.u32 $0xD0000000, s2;
	s6 =	simm.s32 $0x108;
	_ =	swait.ge @!p0 [sflag:s8], $0x0  }
0x24: {  	s3 =	sadd.s32 $0x88, s3;
	s6 =	simm.s32 @!p1 $0x1082;
	[sflag:s4] =	ssyncset.s32 $0xFFFFF086  }
0x25: {  	[simem:s6], [sflag:s4] =	dma.local [hbm:s3], $0xF7A  }
0x26: {  	[smem:$0x3F95] =	sst s1;
	(tag) =	ssettag s2;
	_ =	strace s9  }
0x27: {  	s1 =	sld [smem:$0x3FA5]  }
0x28: {  	s2 =	sld [smem:$0x3FA6]  }
0x29: {  	s4 =	sld [smem:$0x3FA8]  }
0x2a: {  	p0 =	seq.s32 s5, $0x0;
	s5 =	sld [smem:$0x3FA9]  }
0x2b: {  	s6 =	sld [smem:$0x3FAA]  }
0x2c: {  	s7 =	sld [smem:$0x3FAB]  }
0x2d: {  	s3 =	simm.s32 $0x108;
	s8 =	sld [smem:$0x3FAC]  }
0x2e: {  	s3 =	simm.s32 @!p0 $0x1082;
	s9 =	sld [smem:$0x3FAD]  }
0x2f: {  	lr =	sadd.s32 s0, s3;
	s0 =	sld [smem:$0x3FA4]  }
0x30: {  	s3 =	sld [smem:$0x3FA7]  }
0x31: {  	[smem:$0x3FB0] =	sst s10  }
0x32: {  	s10 =	sld [smem:$0x3FAE];
	_ =	sdelay $0x3  }
0x33: {  	p0 =	seq.s32 s10, $0x1;
	s10 =	sld [smem:$0x3FB0];
	_ =	sdelay $0x3  }
0x34: {  	[smem:$0x3FB0] =	sst s10  }
0x35: {  	s10 =	sld [smem:$0x3FAF];
	_ =	sdelay $0x3  }
0x36: {  	p1 =	seq.s32 s10, $0x1;
	s10 =	sld [smem:$0x3FB0];
	_ =	sdelay $0x3  }
0x37: {  	[smem:$0x3FB0] =	sst s10  }
0x38: {  	s10 =	sld [smem:$0x3FB1]  }
0x39: {  	_ = 	snop;
	(pc) =	sbr.ind lr, $3  }
0x3a: {  	_ = 	snop  }
0x3b: {  	_ = 	snop  }
0x3c: {  	p2 =	seq.s32 s10, $0x1;
	s10 =	sld [smem:$0x3FB0]  }
0x3d: {  	_ =	shalt  }
0x3e: {  	_ =	shalt  }
0x3f: {  	_ =	shalt  }
0x40: {  	_ =	shalt  }
0x41: {  	_ =	shalt  }
0x42: {  	_ =	shalt  }
0x43: {  	_ =	shalt  }
0x44: {  	_ =	shalt  }
0x45: {  	_ =	shalt  }
0x46: {  	_ =	shalt  }
0x47: {  	_ =	shalt  }
0x48: {  	_ =	shalt  }
0x49: {  	_ =	shalt  }
0x4a: {  	_ =	shalt  }
0x4b: {  	_ =	shalt  }
0x4c: {  	_ =	shalt  }
0x4d: {  	_ =	shalt  }
0x4e: {  	_ =	shalt  }
0x4f: {  	_ =	shalt  }
0x50: {  	_ =	shalt  }
0x51: {  	_ =	shalt  }
0x52: {  	_ =	shalt  }
0x53: {  	_ =	shalt  }
0x54: {  	_ =	shalt  }
0x55: {  	_ =	shalt  }
0x56: {  	_ =	shalt  }
0x57: {  	_ =	shalt  }
0x58: {  	_ =	shalt  }
0x59: {  	_ =	shalt  }
0x5a: {  	_ =	shalt  }
0x5b: {  	_ =	shalt  }
0x5c: {  	_ =	shalt  }
0x5d: {  	_ =	shalt  }
0x5e: {  	_ =	shalt  }
0x5f: {  	_ =	shalt  }
0x60: {  	_ =	shalt  }
0x61: {  	_ =	shalt  }
0x62: {  	_ =	shalt  }
0x63: {  	_ =	shalt  }
0x64: {  	_ =	shalt  }
0x65: {  	_ =	shalt  }
0x66: {  	_ =	shalt  }
0x67: {  	_ =	shalt  }
0x68: {  	_ =	shalt  }
0x69: {  	_ =	shalt  }
0x6a: {  	_ =	shalt  }
0x6b: {  	_ =	shalt  }
0x6c: {  	_ =	shalt  }
0x6d: {  	_ =	shalt  }
0x6e: {  	_ =	shalt  }
0x6f: {  	_ =	shalt  }
0x70: {  	_ =	shalt  }
0x71: {  	_ =	shalt  }
0x72: {  	_ =	shalt  }
0x73: {  	_ =	shalt  }
0x74: {  	_ =	shalt  }
0x75: {  	_ =	shalt  }
0x76: {  	_ =	shalt  }
0x77: {  	_ =	shalt  }
0x78: {  	_ =	shalt  }
0x79: {  	_ =	shalt  }
0x7a: {  	_ =	shalt  }
0x7b: {  	_ =	shalt  }
0x7c: {  	_ =	shalt  }
0x7d: {  	_ =	shalt  }
0x7e: {  	_ =	shalt  }
0x7f: {  	_ =	shalt  }
0x80: {  	_ =	shalt  }
0x81: {  	_ =	shalt  }
0x82: {  	_ =	shalt  }
0x83: {  	_ =	shalt  }
0x84: {  	_ =	shalt  }
0x85: {  	_ =	shalt  }
0x86: {  	_ =	shalt  }
0x87: {  	_ =	shalt  }
.Lfunc_end0:
.L_simem_size_0:
called_computation_lowered:
.L_overlay_start_0:
0x88: {  	s2 =	sld [smem:$0x3FD9]  }
0x89: {  	s3 =	sld [smem:$0x3FFE];
	_ =	sdelay $0x1  }
0x8a: {  	s1 =	srdreg.scid  }
0x8b: {  	s0 =	sand.u32 $0x1, s1  }
0x8c: {  	s14 =	sshll.u32 s0, $0xA;
	s2 =	sadd.s32 s3, s2  }
0x8d: {  	s2 =	sadd.s32 s2, s14  }
0x8e: {  	[smem:$0x3FBC] =	sst s2  }
0x8f: {  	_ = 	snop  }
0x90: {  	s2 =	sld [smem:$0x3FD0];
	_ =	sdelay $0x2  }
0x91: {  	s15 =	simm.s32 $0xA;
	s4 =	simm.s32 $0x10  }
0x92: {  	[smem:s4], [sflag:s15] =	dma.local [hbm:s2], $0x1  }
0x93: {  	_ =	swait.eq [sflag:s15], $0x1  }
0x94: {  	[sflag:s15] =	ssyncset.done $0x0  }
0x95: {  	[sflag:s15] =	ssyncadd.s32 $0xFFFFFFFF  }
0x96: {  	s16 =	sld [smem:$0x10];
	(tm) =	ssettm $0x1  }
0x97: {  	s17 =	sld [smem:$0x3FFB];
	_ =	sdelay $0x3  }
0x98: {  	_ =	strace s17  }
0x99: {  	s3 =	sld [smem:$0x3FFC];
	_ =	sdelay $0x3  }
0x9a: {  	_ =	strace s3  }
0x9b: {  	s3 =	sld [smem:$0x3FFD];
	_ =	sdelay $0x3  }
0x9c: {  	_ =	strace s3  }
0x9d: {  	_ =	strace $0x8FFFFFFF  }
0x9e: {  	s18 =	sld [smem:$0x3FDB];
	_ =	sdelay $0x1  }
0x9f: {  	s19 =	simm.s32 $_scs_section_size  }
0xa0: {  	s5 =	simm.s32 $_size__tile_overlayer_lowered;
	s6 =	simm.s32 $_tile_overlayer_lowered  }
0xa1: {  	s22 =	simm.s32 $0x1BFF;
	s21 =	sshll.u32 s6, $0x1;
	s3 =	sadd.s32 s19, s18  }
0xa2: {  	s7 =	simm.s32 $0x0;
	s20 =	sshll.u32 s5, $0x1;
	s5 =	sadd.s32 s21, s3  }
0xa3: {  	[timem:s7], [sflag:s22] =	dma.local [hbm:s5], s20  }
0xa4: {  	_ =	swait.ge [sflag:s22], s20  }
0xa5: {  	s4 =	ssub.s32 $0x0, s20;
	[sflag:s22] =	ssyncset.done $0x0  }
0xa6: {  	[sflag:s22] =	ssyncadd.s32 s4;
	_ =	sdelay $0x1  }
0xa7: {  	s23 =	simm.s32 $0x1B8B  }
0xa8: {  	_ =	swait.ge [sflag:s23], $0x1  }
0xa9: {  	[sflag:s23] =	ssyncset.done $0x0  }
0xaa: {  	s25 =	simm.s32 $0x1B8E;
	s24 =	sld [smem:$0x3FFE];
	[sflag:s23] =	ssyncadd.s32 $0xFFFFFFFF  }
0xab: {  	s26 =	simm.s32 $execute0_lowered;
	[smem:$0x3FD2] =	sst s25  }
0xac: {  	s5 =	sshll.u32 s26, $0x1;
	_ =	strace $0x80000046;
	[dreg:$0x1] =	wrdreg $0xFFFFFFFF  }
0xad: {  	s28 =	simm.s32 $_size_execute0_lowered;
	s3 =	sadd.s32 s3, s5;
	[dreg:$0x0] =	wrdreg $0x0  }
0xae: {  	s5 =	sshll.u32 s28, $0x1;
	[dreg:$0x2] =	wrdreg s3  }
0xaf: {  	[dreg:$0x3] =	wrdreg s5  }
0xb0: {  	[dreg:$0x4] =	wrdreg $0xC0  }
0xb1: {  	_ =	task [dreg:s7], $0x5FFFF  }
0xb2: {  	[dreg:$0x1] =	wrdreg $0xFFFFFFFF  }
0xb3: {  	[dreg:$0x0] =	wrdreg $0x60  }
0xb4: {  	[dreg:$0x2] =	wrdreg s24  }
0xb5: {  	[dreg:$0x3] =	wrdreg s16  }
0xb6: {  	[dreg:$0x4] =	wrdreg $0x38400  }
0xb7: {  	[dreg:$0x5] =	wrdreg $0x9  }
0xb8: {  	_ =	task.clear_ibuf [dreg:s7], $0x6FFFF;
	_ =	strace $0x90000046  }
0xb9: {  	s29 =	simm.s32 $0x9;
	_ =	strace $0x80000048  }
0xba: {  	_ =	swait.ge [sflag:s29], $0x1  }
0xbb: {  	[sflag:s29] =	ssyncadd.s32 $0xFFFFFFFF  }
0xbc: {  	_ =	strace $0x90000048  }
0xbd: {  	_ =	sfence  }
0xbe: {  	s30 =	sld [smem:$0x0];
	_ =	sdelay $0x2  }
0xbf: {  	s31 =	sshll.u32 s1, $0xD;
	s1 =	sshrl.u32 s1, $0x2  }
0xc0: {  	s3 =	sand.u32 $0x4000, s31;
	s1 =	sadd.s32 s1, s30  }
0xc1: {  	s0 =	sor.u32 s3, s0;
	s1 =	sshll.u32 s1, $0x11  }
0xc2: {  	s0 =	sor.u32 s1, s0  }
0xc3: {  	s0 =	sadd.s32 $0x8F2B, s0  }
0xc4: {  	[sflag:s0] =	ssyncadd.remote.s32 $0x1  }
0xc5: {  	_ =	sfence.sel $0xFFFF  }
0xc6: {  	[dreg:$0x0] =	wrdreg $0xFFFFFFFF;
	(pc) =	sbr.abs _section_cstart, $3  }
0xc7: {  	[dreg:$0x1] =	wrdreg $0xFFFFFFFF  }
0xc8: {  	_ =	task.clear_ibuf [dreg:s7], $0x2FFFF;
	_ =	strace $0x9FFFFFFF  }
0xc9: {  	(tm) =	ssettm $0x7FFFFFFF  }
tec
execute0_lowered:
.L_overlay_start_1:
0x0: {  	(tag) =	ssettag $0x1  }
0x1: {  	s5 =	rddreg [dreg:$0x0]  }
0x2: {  	s2 =	rddreg [dreg:$0x1]  }
0x3: {  	s3 =	rddreg [dreg:$0x2]  }
0x4: {  	s0 =	rddreg [dreg:$0x3];
	s4 =	simm.s32 $0x0;
	s1 =	stileid.u32  }
0x5: {  	s6 =	srdreg.scid;
	s17 =	simm.s32 $0x320;
	s18 =	simm.s32 $0x1  }
0x6: {  	s19 =	simm.s32 $0x2;
	s20 =	simm.s32 $0x0;
	[smem:$0x7FF] =	sst s4  }
0x7: {  	s7 =	smul.u32 $0x18800, s1;
	s6 =	sand.u32 $0x1, s6;
	s13 =	sadd.s32 $0x2E00, s5  }
0x8: {  	s28 =	sshll.u32 s1, $0x6;
	s16 =	smul.u32 $0x186A0, s1;
	_ =	strace $0x80000047  }
0x9: {  	s8 =	smul.u32 $0x188000, s6;
	s10 =	sshll.u32 s6, $0x4;
	s11 =	ssub.s32 $0x2, s6  }
0xa: {  	s26 =	smul.u32 $0x186A00, s6;
	s6 =	sor.u32 $0x1C03, s28;
	s9 =	sshrl.u32 s7, $0x3  }
0xb: {  	s10 =	sor.u32 s1, s10;
	s12 =	sshrl.u32 s11, $0x1;
	s15 =	sadd.s32 s7, s3  }
0xc: {  	s8 =	sadd.s32 s7, s8;
	s10 =	smul.u32 $0x186A0, s10;
	s9 =	sadd.s32 s9, s5  }
0xd: {  	s11 =	ssub.s32 s11, s12;
	s30 =	sadd.s32 s16, s26;
	s8 =	sshrl.u32 s8, $0x3  }
0xe: {  	s16 =	sadd.s32 $0x30DD60, s30;
	s14 =	sadd.s32 s8, s5;
	s25 =	sshrl.u32 s10, $0x3  }
0xf: {  	s5 =	sadd.s32 $0xC6400, s9;
	s10 =	smax.u32 s11, $0x1;
	s31 =	sshrl.u32 s16, $0x3  }
0x10: {  	s16 =	simm.s32 $0x640;
	s29 =	sadd.s32 s13, s25;
	s9 =	sadd.s32 $0xF7400, s14  }
0x11: {  	s14 =	sadd.s32 $0x30DA40, s30;
	s12 =	sadd.s32 s31, s13;
	s7 =	sadd.s32 $0x61A80, s29  }
0x12: {  	s8 =	sadd.s32 $0x61AE4, s29;
	s11 =	sadd.s32 $0x64AF0, s29;
	s14 =	sshrl.u32 s14, $0x3  }
0x13: {  	s13 =	sadd.s32 s14, s13;
	s14 =	sshrl.u32 s15, $0x3;
	s15 =	simm.s32 $0x3  }
.LBB2_1:
0x14: {  	[spmem:s14], [sflag:s6] =	dma.local [hbm:s5], $0x3100  }
0x15: {  	_ =	swait.ge [sflag:s15], $0x3100  }
0x16: {  	[sflag:s15] =	ssyncset.done $0x0  }
0x17: {  	[sflag:s15] =	ssyncadd.s32 $0xFFFFCF00  }
0x18: {  	[tilespmem:s16], [sflag:$0x3] =	stream.linear.gather [hbm4b:s2+s4], $0x3200, $0x38;
	[tilespmem:$0x1C040] =	vst v63  }
0x19: {  	_ =	swait.ge [sflag:s15], $0x3200  }
0x1a: {  	[sflag:s15] =	ssyncset.done $0x0  }
0x1b: {  	[sflag:s15] =	ssyncadd.s32 $0xFFFFCE00  }
0x1c: {  	[bflag:$0x0] =	sbarrier.arrive $0xFFFF  }
0x1d: {  	[tilespmem:s4], [sflag:$0x1] =	stream.linear.gather [hbm4b:s7+s4], $0x320, $0x38;
	[tilespmem:$0x1C040] =	vst v63  }
0x1e: {  	_ = 	snop  }
0x1f: {  	[tilespmem:s17], [sflag:$0x2] =	stream.linear.gather [hbm4b:s8+s4], $0x320, $0x38;
	[tilespmem:$0x1C040] =	vst v63  }
0x20: {  	_ =	swait.ge [sflag:s18], $0x320  }
0x21: {  	[sflag:s18] =	ssyncset.done $0x0  }
0x22: {  	[sflag:s18] =	ssyncadd.s32 $0xFFFFFCE0  }
0x23: {  	[spmem:s3] =	stream.indirect.scatter.add.f32 [tilespmem:s16], [sflag:$0x3], $0x10, s4, s17, $0xb8;
	[tilespmem:$0x1C040] =	vst v63  }
0x24: {  	_ =	swait.ge [sflag:s15], $0x3200  }
0x25: {  	[sflag:s15] =	ssyncset.done $0x0  }
0x26: {  	s21 =	sadd.s32 $0x0, s13;
	[sflag:s15] =	ssyncadd.s32 $0xFFFFCE00  }
0x27: {  	[tilespmem:s4], [sflag:$0x1] =	stream.linear.gather [hbm4b:s21+s4], $0x320, $0x38;
	[tilespmem:$0x1C040] =	vst v63  }
0x28: {  	_ =	swait.ge [sflag:s19], $0x320  }
0x29: {  	[sflag:s19] =	ssyncset.done $0x0  }
0x2a: {  	[sflag:s19] =	ssyncadd.s32 $0xFFFFFCE0  }
0x2b: {  	[spmem:s3] =	stream.indirect.scatter.add.f32 [tilespmem:s16], [sflag:$0x3], $0x10, s17, s17, $0xb8;
	[tilespmem:$0x1C040] =	vst v63  }
0x2c: {  	_ =	swait.ge [sflag:s15], $0x3200  }
0x2d: {  	[sflag:s15] =	ssyncset.done $0x0  }
0x2e: {  	s22 =	sadd.s32 $0x0, s12;
	s21 =	simm.s32 $0xC8;
	[sflag:s15] =	ssyncadd.s32 $0xFFFFCE00  }
.LBB2_2:
0x2f: {  	[tilespmem:s17], [sflag:$0x2] =	stream.linear.gather [hbm4b:s22+s4], $0x320, $0x38;
	[tilespmem:$0x1C040] =	vst v63  }
0x30: {  	s22 =	smov.u32 s21  }
0x31: {  	p0 =	sne.s32 s21, $0x2EE0;
	s21 =	sadd.s32 $0xC8, s21;
	_ =	swait.ge [sflag:s18], $0x320  }
0x32: {  	[sflag:s18] =	ssyncset.done $0x0  }
0x33: {  	[sflag:s18] =	ssyncadd.s32 $0xFFFFFCE0  }
0x34: {  	[spmem:s3] =	stream.indirect.scatter.add.f32 [tilespmem:s16], [sflag:$0x3], $0x10, s4, s17, $0xb8;
	[tilespmem:$0x1C040] =	vst v63  }
0x35: {  	_ =	swait.ge [sflag:s15], $0x3200  }
0x36: {  	[sflag:s15] =	ssyncset.done $0x0  }
0x37: {  	s23 =	sadd.s32 s22, s13;
	[sflag:s15] =	ssyncadd.s32 $0xFFFFCE00  }
0x38: {  	[tilespmem:s4], [sflag:$0x1] =	stream.linear.gather [hbm4b:s23+s4], $0x320, $0x38;
	[tilespmem:$0x1C040] =	vst v63  }
0x39: {  	_ =	swait.ge [sflag:s19], $0x320  }
0x3a: {  	[sflag:s19] =	ssyncset.done $0x0  }
.Ltmp0:
0x3b: {  	[sflag:s19] =	ssyncadd.s32 $0xFFFFFCE0;
	(pc) =	sbr.rel @p0 .LBB2_2-.Ltmp0, $4  }
0x3c: {  	[spmem:s3] =	stream.indirect.scatter.add.f32 [tilespmem:s16], [sflag:$0x3], $0x10, s17, s17, $0xb8;
	[tilespmem:$0x1C040] =	vst v63  }
0x3d: {  	_ =	swait.ge [sflag:s15], $0x3200  }
0x3e: {  	[sflag:s15] =	ssyncset.done $0x0  }
0x3f: {  	s22 =	sadd.s32 s22, s12;
	[sflag:s15] =	ssyncadd.s32 $0xFFFFCE00  }
0x40: {  	[tilespmem:s17], [sflag:$0x2] =	stream.linear.gather [hbm4b:s22+s4], $0x320, $0x38;
	[tilespmem:$0x1C040] =	vst v63  }
0x41: {  	_ =	swait.ge [sflag:s18], $0x320  }
0x42: {  	[sflag:s18] =	ssyncset.done $0x0  }
0x43: {  	[sflag:s18] =	ssyncadd.s32 $0xFFFFFCE0  }
0x44: {  	[spmem:s3] =	stream.indirect.scatter.add.f32 [tilespmem:s16], [sflag:$0x3], $0x10, s4, s17, $0xb8;
	[tilespmem:$0x1C040] =	vst v63  }
0x45: {  	_ =	swait.ge [sflag:s15], $0x3200  }
0x46: {  	[sflag:s15] =	ssyncset.done $0x0  }
0x47: {  	[sflag:s15] =	ssyncadd.s32 $0xFFFFCE00  }
0x48: {  	[tilespmem:s4], [sflag:$0x1] =	stream.linear.gather [hbm4b:s11+s4], $0x320, $0x38;
	[tilespmem:$0x1C040] =	vst v63  }
0x49: {  	_ =	swait.ge [sflag:s19], $0x320  }
0x4a: {  	[sflag:s19] =	ssyncset.done $0x0  }
0x4b: {  	[sflag:s19] =	ssyncadd.s32 $0xFFFFFCE0  }
0x4c: {  	[spmem:s3] =	stream.indirect.scatter.add.f32 [tilespmem:s16], [sflag:$0x3], $0x10, s17, s17, $0xb8;
	[tilespmem:$0x1C040] =	vst v63  }
0x4d: {  	_ =	swait.ge [sflag:s15], $0x3200  }
0x4e: {  	[sflag:s15] =	ssyncset.done $0x0  }
0x4f: {  	[sflag:s15] =	ssyncadd.s32 $0xFFFFCE00  }
0x50: {  	_ =	swait.ge [sflag:s18], $0x320  }
0x51: {  	[sflag:s18] =	ssyncset.done $0x0  }
0x52: {  	[sflag:s18] =	ssyncadd.s32 $0xFFFFFCE0  }
0x53: {  	[spmem:s3] =	stream.indirect.scatter.add.f32 [tilespmem:s16], [sflag:$0x3], $0x10, s4, s17, $0xb8;
	[tilespmem:$0x1C040] =	vst v63  }
0x54: {  	_ =	swait.ge [sflag:s15], $0x3200  }
0x55: {  	s20 =	sadd.s32 $0x1, s20;
	[sflag:s15] =	ssyncset.done $0x0  }
0x56: {  	p0 =	sne.s32 s20, s10;
	[sflag:s15] =	ssyncadd.s32 $0xFFFFCE00  }
.Ltmp1:
0x57: {  	[bflag:$0x0] =	sbarrier.arrive $0xFFFF;
	(pc) =	sbr.rel @p0 .LBB2_1-.Ltmp1, $4  }
0x58: {  	[hbm:s9], [sflag:s6] =	dma.local [spmem:s14], $0x3100  }
0x59: {  	_ =	swait.ge [sflag:s15], $0x3100  }
0x5a: {  	[sflag:s15] =	ssyncset.done $0x0  }
0x5b: {  	[sflag:s15] =	ssyncadd.s32 $0xFFFFCF00  }
0x5c: {  	_ =	sfence.sel $0x180000  }
0x5d: {  	[bflag:$0x0] =	sbarrier.arrive $0xFFFF  }
0x5e: {  	p0 =	sne.s32 s1, $0x0;
	_ =	strace $0x90000047  }
0x5f: {  	s0 =	sadd.s32 @!p0 $0x100000, s0;
	[bflag:$0x2] =	sbarrier.arrive $0xFFFF  }
0x60: {  	[sflag:s0] =	ssyncadd.tile.s32 @!p0 $0x1;
	_ =	shalt  }
.Lfunc_end2:
_tile_overlayer_lowered:
.L_overlay_start_2:
0x61: {  	(tag) =	ssettag $0x2  }
0x62: {  	s0 =	rddreg [dreg:$0x0];
	s2 =	stileid.u32  }
0x63: {  	s1 =	rddreg [dreg:$0x1];
	p0 =	sne.s32 s2, $0x0  }
0x64: {  	s3 =	rddreg [dreg:$0x2];
	[bflag:$0x3] =	sbarrier.arrive $0xFFFF;
	s2 =	simm.s32 @!p0 $0x1C03  }
0x65: {  	[timem:s3], [sflag:s2] =	dma.local @!p0 [hbm:s0], s1  }
0x66: {  	s0 =	simm.s32 @!p0 $0x3  }
0x67: {  	_ =	swait.ge @!p0 [sflag:s0], s1  }
0x68: {  	s1 =	ssub.s32 @!p0 $0x0, s1;
	[sflag:s0] =	ssyncset.done @!p0 $0x0  }
0x69: {  	[sflag:s0] =	ssyncadd.s32 @!p0 s1  }
0x6a: {  	[bflag:$0x3] =	sbarrier.arrive $0xFFFF  }
0x6b: {  	_ =	shalt  }

</sc_bundles>
